<compile_context>
chip_gen: v7x
topology: tpu7x:2x2x1
jax: 0.10.2.dev20260603
libtpu: 0.0.44.dev20260713+nightly
codegen_flags: <defaults>
</compile_context>

<pallas_src>
import functools

import jax
import jax.numpy as jnp
from jax import lax
from jax.experimental import pallas as pl
from jax.experimental.pallas import tpu as pltpu
from jax.experimental.pallas import tpu_sc as plsc

N = 8388608
NC = 2
NS = 16
L = 16
NW = NC * NS
CHUNK = 8192

SC_CHUNKS = 8
PER_W = CHUNK * SC_CHUNKS
N_SC = NW * PER_W

LANES = 128
ROWS = N // LANES
TR0 = N_SC // LANES
BR = 8192
GT = (ROWS - TR0) // BR

W_LO = 2.0 / 3.0


@functools.partial(
    pl.kernel,
    out_type=jax.ShapeDtypeStruct((NW, 2, L), jnp.float32),
    mesh=plsc.VectorSubcoreMesh(core_axis_name="c", subcore_axis_name="s",
                                num_cores=NC, num_subcores=NS),
    scratch_types=[
        pltpu.VMEM((CHUNK,), jnp.float32),
        pltpu.VMEM((CHUNK,), jnp.float32),
        pltpu.VMEM((CHUNK,), jnp.float32),
        pltpu.VMEM((CHUNK,), jnp.float32),
        pltpu.VMEM((2, L), jnp.float32),
        pltpu.SemaphoreType.DMA,
        pltpu.SemaphoreType.DMA,
    ],
)
def _sc_partials(pred_hbm, gt_hbm, out_hbm, p0, p1, g0, g1, stage, sem0, sem1):
    cid = lax.axis_index("c")
    sid = lax.axis_index("s")
    wid = sid * NC + cid
    base = wid * PER_W

    pbuf = (p0, p1)
    gbuf = (g0, g1)
    sems = (sem0, sem1)

    def start(slot, off):
        pltpu.async_copy(pred_hbm.at[pl.ds(off, CHUNK)], pbuf[slot], sems[slot])
        pltpu.async_copy(gt_hbm.at[pl.ds(off, CHUNK)], gbuf[slot], sems[slot])

    def wait(slot):
        pltpu.make_async_copy(pred_hbm.at[pl.ds(base, CHUNK)], pbuf[slot], sems[slot]).wait()
        pltpu.make_async_copy(gt_hbm.at[pl.ds(base, CHUNK)], gbuf[slot], sems[slot]).wait()

    U = 8

    def compute(pv, gv, acc):
        @pl.loop(0, CHUNK // L // U, init_carry=acc)
        def acc_loop(j, carry):
            aws = list(carry[:U])
            awds = list(carry[U:])
            base_i = j * (U * L)
            for u in range(U):
                p = pv[pl.ds(base_i + u * L, L)]
                g = gv[pl.ds(base_i + u * L, L)]
                d = g - p
                w = jnp.where(g <= 0.55, W_LO, 1.0)
                aws[u] = aws[u] + w
                awds[u] = awds[u] + w * (d * d)
            return tuple(aws) + tuple(awds)

        return acc_loop

    zero = jnp.zeros((L,), jnp.float32)
    acc = (zero,) * (2 * U)
    start(0, base)
    start(1, base + CHUNK)

    @pl.loop(0, SC_CHUNKS // 2 - 1, init_carry=acc)
    def chunk_loop(kk, acc):
        for b in range(2):
            k = 2 * kk + b
            wait(b)
            acc = compute(pbuf[b], gbuf[b], acc)
            start(b, base + (k + 2) * CHUNK)
        return acc

    acc = chunk_loop
    for b in range(2):
        wait(b)
        acc = compute(pbuf[b], gbuf[b], acc)

    def _tree(vs):
        vs = list(vs)
        while len(vs) > 1:
            vs = [a + b for a, b in zip(vs[::2], vs[1::2])]
        return vs[0]

    stage[0, :] = _tree(acc[:U])
    stage[1, :] = _tree(acc[U:])
    pltpu.sync_copy(stage, out_hbm.at[wid])


def _tc_body(p_ref, g_ref, out_ref, acc_ref):
    i = pl.program_id(0)

    @pl.when(i == 0)
    def _init():
        acc_ref[...] = jnp.zeros_like(acc_ref)

    p = p_ref[...]
    g = g_ref[...]
    d = g - p
    w = jnp.where(g <= 0.55, W_LO, 1.0)
    sw = jnp.sum(w.reshape(BR // 8, 8, LANES), axis=0)
    swd = jnp.sum((w * (d * d)).reshape(BR // 8, 8, LANES), axis=0)
    acc_ref[0] += sw
    acc_ref[1] += swd

    @pl.when(i == GT - 1)
    def _emit():
        out_ref[...] = acc_ref[...]


_tc_partials = pl.pallas_call(
    _tc_body,
    grid=(GT,),
    in_specs=[
        pl.BlockSpec((BR, LANES), lambda i: (TR0 // BR + i, 0)),
        pl.BlockSpec((BR, LANES), lambda i: (TR0 // BR + i, 0)),
    ],
    out_specs=pl.BlockSpec((2, 8, LANES), lambda i: (0, 0, 0)),
    out_shape=jax.ShapeDtypeStruct((2, 8, LANES), jnp.float32),
    scratch_shapes=[pltpu.VMEM((2, 8, LANES), jnp.float32)],
)


def _combine_body(sc_ref, tc_ref, out_ref):
    sum_w = jnp.sum(sc_ref[:, 0, :]) + jnp.sum(tc_ref[0])
    sum_wd = jnp.sum(sc_ref[:, 1, :]) + jnp.sum(tc_ref[1])
    out_ref[...] = (sum_wd / sum_w)[None, None]


_combine = pl.pallas_call(
    _combine_body,
    out_shape=jax.ShapeDtypeStruct((1, 1), jnp.float32),
)


def kernel(y_pred, y_gt):
    p2 = y_pred.reshape(ROWS, LANES)
    g2 = y_gt.reshape(ROWS, LANES)
    tc = _tc_partials(p2, g2)
    sc = _sc_partials(y_pred, y_gt)
    return _combine(sc, tc)[0, 0]

# --- scband reference (transcript-rebuilt; emitter-appended) ---
"""Pipeline reference for scband-weighted-mse-26895085207663 (READ-ONLY COPY).

The authoritative reference and input builder live on the scoring server;
editing this copy changes nothing except your own understanding.
"""

import jax, jax.numpy as jnp
import numpy as np

TARGETS = np.array([0.01, 0.02, 0.03, 0.04, 0.11, 0.12, 0.13, 0.21, 0.22, 0.23, 0.31, 0.32, 0.41, 0.42, 0.51, 0.52, 0.61, 0.71, 0.81, 0.91], dtype=np.float32)
HIST_LEN = 10
ALPHA = 1.0
EPS = 0.1
MSE_W = 1.0
N = 8388608

def _hist_frequency_estimation():
    # mirrors WeightedMSE.hist_frequency_estimation run at __init__ on `targets`
    hist_range = jnp.linspace(0.0, 1.0, HIST_LEN + 1)[:-1]
    y = jnp.asarray(TARGETS)
    hist_idxs = (HIST_LEN * y).astype(jnp.int32)
    hist_count = jnp.bincount(hist_idxs, length=HIST_LEN)
    return hist_count, hist_range

def setup_inputs(seed: int = 0) -> dict:
    key = jax.random.key(seed)
    k1, k2 = jax.random.split(key)
    y_pred = jax.random.uniform(k1, (N,), dtype=jnp.float32)
    y_gt = jax.random.uniform(k2, (N,), dtype=jnp.float32)
    return {"y_pred": y_pred, "y_gt": y_gt}

def reference(y_pred, y_gt):
    freqs, ranges = _hist_frequency_estimation()
    exp_y_pred, exp_y_gt = jnp.broadcast_arrays(y_pred, y_gt)
    # get_dens_target: nearest-range binning via argmin over |y - ranges|
    hist_idx = jnp.abs(exp_y_gt[..., None] - ranges).argmin(axis=-1)
    # faithful replication of the sequential in-place overwrite loop
    # (hist_idx[hist_idx == idx] = freqs[idx]), including its aliasing behavior
    for idx in range(HIST_LEN):
        hist_idx = jnp.where(hist_idx == idx, freqs[idx].astype(hist_idx.dtype), hist_idx)
    freq_min = jnp.min(freqs)
    freq_max = jnp.max(freqs)
    target_dens = (hist_idx - freq_min) / (freq_max - freq_min)
    # get_weight_target
    weights = jnp.maximum(1.0 - ALPHA * target_dens, jnp.full(target_dens.shape, EPS, dtype=jnp.float32))
    weights = weights / jnp.mean(weights)
    return jnp.mean(MSE_W * weights * (exp_y_gt - exp_y_pred) ** 2)

if __name__ == "__main__":
    import jax
    _d = setup_inputs()
    print(jax.jit(kernel)(*tuple(_d.values())))

</pallas_src>

<mosaic_0001>
#map = affine_map<(d0, d1) -> (0)>
#map1 = affine_map<(d0, d1) -> (0, 0, 0)>
module attributes {stable_mosaic.version = 14 : i64} {
  func.func @_sc_partials(%arg0: i32, %arg1: i32, %arg2: memref<8388608xf32, #tpu.memory_space<hbm>>, %arg3: memref<8388608xf32, #tpu.memory_space<hbm>>, %arg4: memref<32x2x16xf32, #tpu.memory_space<hbm>>, %arg5: memref<8192xf32, #tpu.memory_space<vmem>>, %arg6: memref<8192xf32, #tpu.memory_space<vmem>>, %arg7: memref<8192xf32, #tpu.memory_space<vmem>>, %arg8: memref<8192xf32, #tpu.memory_space<vmem>>, %arg9: memref<2x16xf32, #tpu.memory_space<vmem>>, %arg10: memref<!tpu.dma_semaphore, #tpu.memory_space<semaphore_mem>>, %arg11: memref<!tpu.dma_semaphore, #tpu.memory_space<semaphore_mem>>) attributes {dimension_semantics = [#tpu.dimension_semantics<core_parallel>, #tpu.dimension_semantics<subcore_parallel>], iteration_bounds = array<i64: 2, 16>, scalar_prefetch = 0 : i64, scratch_operands = 7 : i64, tpu.core_type = #tpu.core_type<sc_vector_subcore>, window_params = [{transform_indices = #map}, {transform_indices = #map}, {transform_indices = #map1}]} {
    %mul3A = arith.constant 2 : i32
    %mul3A_0 = arith.muli %arg1, %mul3A : i32
    %add3A = arith.addi %mul3A_0, %arg0 : i32
    %mul3A_1 = arith.constant 65536 : i32
    %mul3A_2 = arith.muli %add3A, %mul3A_1 : i32
    %broadcast_in_dim3A = arith.constant 0.000000e+00 : f32
    %broadcast_in_dim3A_3 = vector.broadcast %broadcast_in_dim3A : f32 to vector<16xf32>
    %dma_start3A = tpu.memref_slice %arg2[%mul3A_2] : memref<8388608xf32, #tpu.memory_space<hbm>> -> memref<8192xf32, #tpu.memory_space<hbm>>
    %dma_start3A_4 = tpu.memref_slice %arg2[%mul3A_2] : memref<8388608xf32, #tpu.memory_space<hbm>> -> memref<8192xf32, #tpu.memory_space<hbm>>
    tpu.enqueue_dma source(%dma_start3A_4 : memref<8192xf32, #tpu.memory_space<hbm>>) target(%arg5 : memref<8192xf32, #tpu.memory_space<vmem>>) target_semaphore(%arg10 : memref<!tpu.dma_semaphore, #tpu.memory_space<semaphore_mem>>)
    %dma_start3A_5 = tpu.memref_slice %arg3[%mul3A_2] : memref<8388608xf32, #tpu.memory_space<hbm>> -> memref<8192xf32, #tpu.memory_space<hbm>>
    %dma_start3A_6 = tpu.memref_slice %arg3[%mul3A_2] : memref<8388608xf32, #tpu.memory_space<hbm>> -> memref<8192xf32, #tpu.memory_space<hbm>>
    tpu.enqueue_dma source(%dma_start3A_6 : memref<8192xf32, #tpu.memory_space<hbm>>) target(%arg7 : memref<8192xf32, #tpu.memory_space<vmem>>) target_semaphore(%arg10 : memref<!tpu.dma_semaphore, #tpu.memory_space<semaphore_mem>>)
    %add3A_7 = arith.constant 8192 : i32
    %add3A_8 = arith.addi %mul3A_2, %add3A_7 : i32
    %dma_start3A_9 = tpu.memref_slice %arg2[%add3A_8] : memref<8388608xf32, #tpu.memory_space<hbm>> -> memref<8192xf32, #tpu.memory_space<hbm>>
    %dma_start3A_10 = tpu.memref_slice %arg2[%add3A_8] : memref<8388608xf32, #tpu.memory_space<hbm>> -> memref<8192xf32, #tpu.memory_space<hbm>>
    tpu.enqueue_dma source(%dma_start3A_10 : memref<8192xf32, #tpu.memory_space<hbm>>) target(%arg6 : memref<8192xf32, #tpu.memory_space<vmem>>) target_semaphore(%arg11 : memref<!tpu.dma_semaphore, #tpu.memory_space<semaphore_mem>>)
    %dma_start3A_11 = tpu.memref_slice %arg3[%add3A_8] : memref<8388608xf32, #tpu.memory_space<hbm>> -> memref<8192xf32, #tpu.memory_space<hbm>>
    %dma_start3A_12 = tpu.memref_slice %arg3[%add3A_8] : memref<8388608xf32, #tpu.memory_space<hbm>> -> memref<8192xf32, #tpu.memory_space<hbm>>
    tpu.enqueue_dma source(%dma_start3A_12 : memref<8192xf32, #tpu.memory_space<hbm>>) target(%arg8 : memref<8192xf32, #tpu.memory_space<vmem>>) target_semaphore(%arg11 : memref<!tpu.dma_semaphore, #tpu.memory_space<semaphore_mem>>)
    %scan3A = arith.constant 0 : i32
    %scan3A_13 = arith.constant 3 : i32
    %scan3A_14 = arith.addi %scan3A, %scan3A_13 : i32
    %scan3A_15 = arith.constant 1 : i32
    %scan3A_16:16 = scf.for %scan3A_62 = %scan3A to %scan3A_14 step %scan3A_15 iter_args(%scan3A_63 = %broadcast_in_dim3A_3, %scan3A_64 = %broadcast_in_dim3A_3, %scan3A_65 = %broadcast_in_dim3A_3, %scan3A_66 = %broadcast_in_dim3A_3, %scan3A_67 = %broadcast_in_dim3A_3, %scan3A_68 = %broadcast_in_dim3A_3, %scan3A_69 = %broadcast_in_dim3A_3, %scan3A_70 = %broadcast_in_dim3A_3, %scan3A_71 = %broadcast_in_dim3A_3, %scan3A_72 = %broadcast_in_dim3A_3, %scan3A_73 = %broadcast_in_dim3A_3, %scan3A_74 = %broadcast_in_dim3A_3, %scan3A_75 = %broadcast_in_dim3A_3, %scan3A_76 = %broadcast_in_dim3A_3, %scan3A_77 = %broadcast_in_dim3A_3, %scan3A_78 = %broadcast_in_dim3A_3) -> (vector<16xf32>, vector<16xf32>, vector<16xf32>, vector<16xf32>, vector<16xf32>, vector<16xf32>, vector<16xf32>, vector<16xf32>, vector<16xf32>, vector<16xf32>, vector<16xf32>, vector<16xf32>, vector<16xf32>, vector<16xf32>, vector<16xf32>, vector<16xf32>)  : i32 {
      %mul3A_79 = arith.constant 1 : i32
      %mul3A_80 = arith.muli %scan3A_62, %mul3A_79 : i32
      %add3A_81 = arith.constant 0 : i32
      %add3A_82 = arith.addi %add3A_81, %mul3A_80 : i32
      %mul3A_83 = arith.constant 2 : i32
      %mul3A_84 = arith.muli %mul3A_83, %add3A_82 : i32
      %add3A_85 = arith.constant 0 : i32
      %add3A_86 = arith.addi %mul3A_84, %add3A_85 : i32
      %dma_wait3A_87 = tpu.memref_slice %arg2[%mul3A_2] : memref<8388608xf32, #tpu.memory_space<hbm>> -> memref<8192xf32, #tpu.memory_space<hbm>>
      %dma_wait3A_88 = tpu.memref_slice %arg2[%mul3A_2] : memref<8388608xf32, #tpu.memory_space<hbm>> -> memref<8192xf32, #tpu.memory_space<hbm>>
      tpu.wait_dma2 semaphore(%arg10 : memref<!tpu.dma_semaphore, #tpu.memory_space<semaphore_mem>>) src(%dma_wait3A_88 : memref<8192xf32, #tpu.memory_space<hbm>>) dst(%arg5 : memref<8192xf32, #tpu.memory_space<vmem>>)
      %dma_wait3A_89 = tpu.memref_slice %arg3[%mul3A_2] : memref<8388608xf32, #tpu.memory_space<hbm>> -> memref<8192xf32, #tpu.memory_space<hbm>>
      %dma_wait3A_90 = tpu.memref_slice %arg3[%mul3A_2] : memref<8388608xf32, #tpu.memory_space<hbm>> -> memref<8192xf32, #tpu.memory_space<hbm>>
      tpu.wait_dma2 semaphore(%arg10 : memref<!tpu.dma_semaphore, #tpu.memory_space<semaphore_mem>>) src(%dma_wait3A_90 : memref<8192xf32, #tpu.memory_space<hbm>>) dst(%arg7 : memref<8192xf32, #tpu.memory_space<vmem>>)
      %scan3A_91 = arith.constant 0 : i32
      %scan3A_92 = arith.constant 64 : i32
      %scan3A_93 = arith.addi %scan3A_91, %scan3A_92 : i32
      %scan3A_94 = arith.constant 1 : i32
      %scan3A_95:16 = scf.for %scan3A_129 = %scan3A_91 to %scan3A_93 step %scan3A_94 iter_args(%scan3A_130 = %scan3A_63, %scan3A_131 = %scan3A_64, %scan3A_132 = %scan3A_65, %scan3A_133 = %scan3A_66, %scan3A_134 = %scan3A_67, %scan3A_135 = %scan3A_68, %scan3A_136 = %scan3A_69, %scan3A_137 = %scan3A_70, %scan3A_138 = %scan3A_71, %scan3A_139 = %scan3A_72, %scan3A_140 = %scan3A_73, %scan3A_141 = %scan3A_74, %scan3A_142 = %scan3A_75, %scan3A_143 = %scan3A_76, %scan3A_144 = %scan3A_77, %scan3A_145 = %scan3A_78) -> (vector<16xf32>, vector<16xf32>, vector<16xf32>, vector<16xf32>, vector<16xf32>, vector<16xf32>, vector<16xf32>, vector<16xf32>, vector<16xf32>, vector<16xf32>, vector<16xf32>, vector<16xf32>, vector<16xf32>, vector<16xf32>, vector<16xf32>, vector<16xf32>)  : i32 {
        %mul3A_146 = arith.constant 1 : i32
        %mul3A_147 = arith.muli %scan3A_129, %mul3A_146 : i32
        %add3A_148 = arith.constant 0 : i32
        %add3A_149 = arith.addi %add3A_148, %mul3A_147 : i32
        %mul3A_150 = arith.constant 128 : i32
        %mul3A_151 = arith.muli %add3A_149, %mul3A_150 : i32
        %add3A_152 = arith.constant 0 : i32
        %add3A_153 = arith.addi %mul3A_151, %add3A_152 : i32
        %get3A = arith.index_cast %add3A_153 : i32 to index
        %get3A_154 = tpu.vector_load %arg5[%get3A] {strides = array<i32>} : memref<8192xf32, #tpu.memory_space<vmem>>, vector<16xf32>,
        %get3A_155 = vector.shape_cast %get3A_154 : vector<16xf32> to vector<16xf32>
        %add3A_156 = arith.constant 0 : i32
        %add3A_157 = arith.addi %mul3A_151, %add3A_156 : i32
        %get3A_158 = arith.index_cast %add3A_157 : i32 to index
        %get3A_159 = tpu.vector_load %arg7[%get3A_158] {strides = array<i32>} : memref<8192xf32, #tpu.memory_space<vmem>>, vector<16xf32>,
        %get3A_160 = vector.shape_cast %get3A_159 : vector<16xf32> to vector<16xf32>
        %sub3A = arith.subf %get3A_160, %get3A_155 : vector<16xf32>
        %le3A = arith.constant 5.500000e-01 : f32
        %le3A_161 = vector.broadcast %le3A : f32 to vector<16xf32>
        %le3A_162 = arith.cmpf ole, %get3A_160, %le3A_161 : vector<16xf32>
        %jit3A = arith.constant 0.666666686 : f32
        %jit3A_163 = arith.constant 1.000000e+00 : f32
        %broadcast_in_dim3A_164 = vector.broadcast %jit3A : f32 to vector<16xf32>
        %broadcast_in_dim3A_165 = vector.broadcast %jit3A_163 : f32 to vector<16xf32>
        %select_n3A = arith.select %le3A_162, %broadcast_in_dim3A_164, %broadcast_in_dim3A_165 : vector<16xi1>, vector<16xf32>
        %add3A_166 = arith.addf %scan3A_130, %select_n3A : vector<16xf32>
        %mul3A_167 = arith.mulf %sub3A, %sub3A : vector<16xf32>
        %mul3A_168 = arith.mulf %select_n3A, %mul3A_167 : vector<16xf32>
        %add3A_169 = arith.addf %scan3A_138, %mul3A_168 : vector<16xf32>
        %add3A_170 = arith.constant 16 : i32
        %add3A_171 = arith.addi %mul3A_151, %add3A_170 : i32
        %get3A_172 = arith.index_cast %add3A_171 : i32 to index
        %get3A_173 = tpu.vector_load %arg5[%get3A_172] {strides = array<i32>} : memref<8192xf32, #tpu.memory_space<vmem>>, vector<16xf32>,
        %get3A_174 = vector.shape_cast %get3A_173 : vector<16xf32> to vector<16xf32>
        %add3A_175 = arith.constant 16 : i32
        %add3A_176 = arith.addi %mul3A_151, %add3A_175 : i32
        %get3A_177 = arith.index_cast %add3A_176 : i32 to index
        %get3A_178 = tpu.vector_load %arg7[%get3A_177] {strides = array<i32>} : memref<8192xf32, #tpu.memory_space<vmem>>, vector<16xf32>,
        %get3A_179 = vector.shape_cast %get3A_178 : vector<16xf32> to vector<16xf32>
        %sub3A_180 = arith.subf %get3A_179, %get3A_174 : vector<16xf32>
        %le3A_181 = arith.constant 5.500000e-01 : f32
        %le3A_182 = vector.broadcast %le3A_181 : f32 to vector<16xf32>
        %le3A_183 = arith.cmpf ole, %get3A_179, %le3A_182 : vector<16xf32>
        %jit3A_184 = arith.constant 0.666666686 : f32
        %jit3A_185 = arith.constant 1.000000e+00 : f32
        %broadcast_in_dim3A_186 = vector.broadcast %jit3A_184 : f32 to vector<16xf32>
        %broadcast_in_dim3A_187 = vector.broadcast %jit3A_185 : f32 to vector<16xf32>
        %select_n3A_188 = arith.select %le3A_183, %broadcast_in_dim3A_186, %broadcast_in_dim3A_187 : vector<16xi1>, vector<16xf32>
        %add3A_189 = arith.addf %scan3A_131, %select_n3A_188 : vector<16xf32>
        %mul3A_190 = arith.mulf %sub3A_180, %sub3A_180 : vector<16xf32>
        %mul3A_191 = arith.mulf %select_n3A_188, %mul3A_190 : vector<16xf32>
        %add3A_192 = arith.addf %scan3A_139, %mul3A_191 : vector<16xf32>
        %add3A_193 = arith.constant 32 : i32
        %add3A_194 = arith.addi %mul3A_151, %add3A_193 : i32
        %get3A_195 = arith.index_cast %add3A_194 : i32 to index
        %get3A_196 = tpu.vector_load %arg5[%get3A_195] {strides = array<i32>} : memref<8192xf32, #tpu.memory_space<vmem>>, vector<16xf32>,
        %get3A_197 = vector.shape_cast %get3A_196 : vector<16xf32> to vector<16xf32>
        %add3A_198 = arith.constant 32 : i32
        %add3A_199 = arith.addi %mul3A_151, %add3A_198 : i32
        %get3A_200 = arith.index_cast %add3A_199 : i32 to index
        %get3A_201 = tpu.vector_load %arg7[%get3A_200] {strides = array<i32>} : memref<8192xf32, #tpu.memory_space<vmem>>, vector<16xf32>,
        %get3A_202 = vector.shape_cast %get3A_201 : vector<16xf32> to vector<16xf32>
        %sub3A_203 = arith.subf %get3A_202, %get3A_197 : vector<16xf32>
        %le3A_204 = arith.constant 5.500000e-01 : f32
        %le3A_205 = vector.broadcast %le3A_204 : f32 to vector<16xf32>
        %le3A_206 = arith.cmpf ole, %get3A_202, %le3A_205 : vector<16xf32>
        %jit3A_207 = arith.constant 0.666666686 : f32
        %jit3A_208 = arith.constant 1.000000e+00 : f32
        %broadcast_in_dim3A_209 = vector.broadcast %jit3A_207 : f32 to vector<16xf32>
        %broadcast_in_dim3A_210 = vector.broadcast %jit3A_208 : f32 to vector<16xf32>
        %select_n3A_211 = arith.select %le3A_206, %broadcast_in_dim3A_209, %broadcast_in_dim3A_210 : vector<16xi1>, vector<16xf32>
        %add3A_212 = arith.addf %scan3A_132, %select_n3A_211 : vector<16xf32>
        %mul3A_213 = arith.mulf %sub3A_203, %sub3A_203 : vector<16xf32>
        %mul3A_214 = arith.mulf %select_n3A_211, %mul3A_213 : vector<16xf32>
        %add3A_215 = arith.addf %scan3A_140, %mul3A_214 : vector<16xf32>
        %add3A_216 = arith.constant 48 : i32
        %add3A_217 = arith.addi %mul3A_151, %add3A_216 : i32
        %get3A_218 = arith.index_cast %add3A_217 : i32 to index
        %get3A_219 = tpu.vector_load %arg5[%get3A_218] {strides = array<i32>} : memref<8192xf32, #tpu.memory_space<vmem>>, vector<16xf32>,
        %get3A_220 = vector.shape_cast %get3A_219 : vector<16xf32> to vector<16xf32>
        %add3A_221 = arith.constant 48 : i32
        %add3A_222 = arith.addi %mul3A_151, %add3A_221 : i32
        %get3A_223 = arith.index_cast %add3A_222 : i32 to index
        %get3A_224 = tpu.vector_load %arg7[%get3A_223] {strides = array<i32>} : memref<8192xf32, #tpu.memory_space<vmem>>, vector<16xf32>,
        %get3A_225 = vector.shape_cast %get3A_224 : vector<16xf32> to vector<16xf32>
        %sub3A_226 = arith.subf %get3A_225, %get3A_220 : vector<16xf32>
        %le3A_227 = arith.constant 5.500000e-01 : f32
        %le3A_228 = vector.broadcast %le3A_227 : f32 to vector<16xf32>
        %le3A_229 = arith.cmpf ole, %get3A_225, %le3A_228 : vector<16xf32>
        %jit3A_230 = arith.constant 0.666666686 : f32
        %jit3A_231 = arith.constant 1.000000e+00 : f32
        %broadcast_in_dim3A_232 = vector.broadcast %jit3A_230 : f32 to vector<16xf32>
        %broadcast_in_dim3A_233 = vector.broadcast %jit3A_231 : f32 to vector<16xf32>
        %select_n3A_234 = arith.select %le3A_229, %broadcast_in_dim3A_232, %broadcast_in_dim3A_233 : vector<16xi1>, vector<16xf32>
        %add3A_235 = arith.addf %scan3A_133, %select_n3A_234 : vector<16xf32>
        %mul3A_236 = arith.mulf %sub3A_226, %sub3A_226 : vector<16xf32>
        %mul3A_237 = arith.mulf %select_n3A_234, %mul3A_236 : vector<16xf32>
        %add3A_238 = arith.addf %scan3A_141, %mul3A_237 : vector<16xf32>
        %add3A_239 = arith.constant 64 : i32
        %add3A_240 = arith.addi %mul3A_151, %add3A_239 : i32
        %get3A_241 = arith.index_cast %add3A_240 : i32 to index
        %get3A_242 = tpu.vector_load %arg5[%get3A_241] {strides = array<i32>} : memref<8192xf32, #tpu.memory_space<vmem>>, vector<16xf32>,
        %get3A_243 = vector.shape_cast %get3A_242 : vector<16xf32> to vector<16xf32>
        %add3A_244 = arith.constant 64 : i32
        %add3A_245 = arith.addi %mul3A_151, %add3A_244 : i32
        %get3A_246 = arith.index_cast %add3A_245 : i32 to index
        %get3A_247 = tpu.vector_load %arg7[%get3A_246] {strides = array<i32>} : memref<8192xf32, #tpu.memory_space<vmem>>, vector<16xf32>,
        %get3A_248 = vector.shape_cast %get3A_247 : vector<16xf32> to vector<16xf32>
        %sub3A_249 = arith.subf %get3A_248, %get3A_243 : vector<16xf32>
        %le3A_250 = arith.constant 5.500000e-01 : f32
        %le3A_251 = vector.broadcast %le3A_250 : f32 to vector<16xf32>
        %le3A_252 = arith.cmpf ole, %get3A_248, %le3A_251 : vector<16xf32>
        %jit3A_253 = arith.constant 0.666666686 : f32
        %jit3A_254 = arith.constant 1.000000e+00 : f32
        %broadcast_in_dim3A_255 = vector.broadcast %jit3A_253 : f32 to vector<16xf32>
        %broadcast_in_dim3A_256 = vector.broadcast %jit3A_254 : f32 to vector<16xf32>
        %select_n3A_257 = arith.select %le3A_252, %broadcast_in_dim3A_255, %broadcast_in_dim3A_256 : vector<16xi1>, vector<16xf32>
        %add3A_258 = arith.addf %scan3A_134, %select_n3A_257 : vector<16xf32>
        %mul3A_259 = arith.mulf %sub3A_249, %sub3A_249 : vector<16xf32>
        %mul3A_260 = arith.mulf %select_n3A_257, %mul3A_259 : vector<16xf32>
        %add3A_261 = arith.addf %scan3A_142, %mul3A_260 : vector<16xf32>
        %add3A_262 = arith.constant 80 : i32
        %add3A_263 = arith.addi %mul3A_151, %add3A_262 : i32
        %get3A_264 = arith.index_cast %add3A_263 : i32 to index
        %get3A_265 = tpu.vector_load %arg5[%get3A_264] {strides = array<i32>} : memref<8192xf32, #tpu.memory_space<vmem>>, vector<16xf32>,
        %get3A_266 = vector.shape_cast %get3A_265 : vector<16xf32> to vector<16xf32>
        %add3A_267 = arith.constant 80 : i32
        %add3A_268 = arith.addi %mul3A_151, %add3A_267 : i32
        %get3A_269 = arith.index_cast %add3A_268 : i32 to index
        %get3A_270 = tpu.vector_load %arg7[%get3A_269] {strides = array<i32>} : memref<8192xf32, #tpu.memory_space<vmem>>, vector<16xf32>,
        %get3A_271 = vector.shape_cast %get3A_270 : vector<16xf32> to vector<16xf32>
        %sub3A_272 = arith.subf %get3A_271, %get3A_266 : vector<16xf32>
        %le3A_273 = arith.constant 5.500000e-01 : f32
        %le3A_274 = vector.broadcast %le3A_273 : f32 to vector<16xf32>
        %le3A_275 = arith.cmpf ole, %get3A_271, %le3A_274 : vector<16xf32>
        %jit3A_276 = arith.constant 0.666666686 : f32
        %jit3A_277 = arith.constant 1.000000e+00 : f32
        %broadcast_in_dim3A_278 = vector.broadcast %jit3A_276 : f32 to vector<16xf32>
        %broadcast_in_dim3A_279 = vector.broadcast %jit3A_277 : f32 to vector<16xf32>
        %select_n3A_280 = arith.select %le3A_275, %broadcast_in_dim3A_278, %broadcast_in_dim3A_279 : vector<16xi1>, vector<16xf32>
        %add3A_281 = arith.addf %scan3A_135, %select_n3A_280 : vector<16xf32>
        %mul3A_282 = arith.mulf %sub3A_272, %sub3A_272 : vector<16xf32>
        %mul3A_283 = arith.mulf %select_n3A_280, %mul3A_282 : vector<16xf32>
        %add3A_284 = arith.addf %scan3A_143, %mul3A_283 : vector<16xf32>
        %add3A_285 = arith.constant 96 : i32
        %add3A_286 = arith.addi %mul3A_151, %add3A_285 : i32
        %get3A_287 = arith.index_cast %add3A_286 : i32 to index
        %get3A_288 = tpu.vector_load %arg5[%get3A_287] {strides = array<i32>} : memref<8192xf32, #tpu.memory_space<vmem>>, vector<16xf32>,
        %get3A_289 = vector.shape_cast %get3A_288 : vector<16xf32> to vector<16xf32>
        %add3A_290 = arith.constant 96 : i32
        %add3A_291 = arith.addi %mul3A_151, %add3A_290 : i32
        %get3A_292 = arith.index_cast %add3A_291 : i32 to index
        %get3A_293 = tpu.vector_load %arg7[%get3A_292] {strides = array<i32>} : memref<8192xf32, #tpu.memory_space<vmem>>, vector<16xf32>,
        %get3A_294 = vector.shape_cast %get3A_293 : vector<16xf32> to vector<16xf32>
        %sub3A_295 = arith.subf %get3A_294, %get3A_289 : vector<16xf32>
        %le3A_296 = arith.constant 5.500000e-01 : f32
        %le3A_297 = vector.broadcast %le3A_296 : f32 to vector<16xf32>
        %le3A_298 = arith.cmpf ole, %get3A_294, %le3A_297 : vector<16xf32>
        %jit3A_299 = arith.constant 0.666666686 : f32
        %jit3A_300 = arith.constant 1.000000e+00 : f32
        %broadcast_in_dim3A_301 = vector.broadcast %jit3A_299 : f32 to vector<16xf32>
        %broadcast_in_dim3A_302 = vector.broadcast %jit3A_300 : f32 to vector<16xf32>
        %select_n3A_303 = arith.select %le3A_298, %broadcast_in_dim3A_301, %broadcast_in_dim3A_302 : vector<16xi1>, vector<16xf32>
        %add3A_304 = arith.addf %scan3A_136, %select_n3A_303 : vector<16xf32>
        %mul3A_305 = arith.mulf %sub3A_295, %sub3A_295 : vector<16xf32>
        %mul3A_306 = arith.mulf %select_n3A_303, %mul3A_305 : vector<16xf32>
        %add3A_307 = arith.addf %scan3A_144, %mul3A_306 : vector<16xf32>
        %add3A_308 = arith.constant 112 : i32
        %add3A_309 = arith.addi %mul3A_151, %add3A_308 : i32
        %get3A_310 = arith.index_cast %add3A_309 : i32 to index
        %get3A_311 = tpu.vector_load %arg5[%get3A_310] {strides = array<i32>} : memref<8192xf32, #tpu.memory_space<vmem>>, vector<16xf32>,
        %get3A_312 = vector.shape_cast %get3A_311 : vector<16xf32> to vector<16xf32>
        %add3A_313 = arith.constant 112 : i32
        %add3A_314 = arith.addi %mul3A_151, %add3A_313 : i32
        %get3A_315 = arith.index_cast %add3A_314 : i32 to index
        %get3A_316 = tpu.vector_load %arg7[%get3A_315] {strides = array<i32>} : memref<8192xf32, #tpu.memory_space<vmem>>, vector<16xf32>,
        %get3A_317 = vector.shape_cast %get3A_316 : vector<16xf32> to vector<16xf32>
        %sub3A_318 = arith.subf %get3A_317, %get3A_312 : vector<16xf32>
        %le3A_319 = arith.constant 5.500000e-01 : f32
        %le3A_320 = vector.broadcast %le3A_319 : f32 to vector<16xf32>
        %le3A_321 = arith.cmpf ole, %get3A_317, %le3A_320 : vector<16xf32>
        %jit3A_322 = arith.constant 0.666666686 : f32
        %jit3A_323 = arith.constant 1.000000e+00 : f32
        %broadcast_in_dim3A_324 = vector.broadcast %jit3A_322 : f32 to vector<16xf32>
        %broadcast_in_dim3A_325 = vector.broadcast %jit3A_323 : f32 to vector<16xf32>
        %select_n3A_326 = arith.select %le3A_321, %broadcast_in_dim3A_324, %broadcast_in_dim3A_325 : vector<16xi1>, vector<16xf32>
        %add3A_327 = arith.addf %scan3A_137, %select_n3A_326 : vector<16xf32>
        %mul3A_328 = arith.mulf %sub3A_318, %sub3A_318 : vector<16xf32>
        %mul3A_329 = arith.mulf %select_n3A_326, %mul3A_328 : vector<16xf32>
        %add3A_330 = arith.addf %scan3A_145, %mul3A_329 : vector<16xf32>
        scf.yield %add3A_166, %add3A_189, %add3A_212, %add3A_235, %add3A_258, %add3A_281, %add3A_304, %add3A_327, %add3A_169, %add3A_192, %add3A_215, %add3A_238, %add3A_261, %add3A_284, %add3A_307, %add3A_330 : vector<16xf32>, vector<16xf32>, vector<16xf32>, vector<16xf32>, vector<16xf32>, vector<16xf32>, vector<16xf32>, vector<16xf32>, vector<16xf32>, vector<16xf32>, vector<16xf32>, vector<16xf32>, vector<16xf32>, vector<16xf32>, vector<16xf32>, vector<16xf32>
      }
      %scan3A_96 = arith.constant 64 : i32
      %add3A_97 = arith.constant 2 : i32
      %add3A_98 = arith.addi %add3A_86, %add3A_97 : i32
      %mul3A_99 = arith.constant 8192 : i32
      %mul3A_100 = arith.muli %add3A_98, %mul3A_99 : i32
      %add3A_101 = arith.addi %mul3A_2, %mul3A_100 : i32
      %dma_start3A_102 = tpu.memref_slice %arg2[%add3A_101] : memref<8388608xf32, #tpu.memory_space<hbm>> -> memref<8192xf32, #tpu.memory_space<hbm>>
      %dma_start3A_103 = tpu.memref_slice %arg2[%add3A_101] : memref<8388608xf32, #tpu.memory_space<hbm>> -> memref<8192xf32, #tpu.memory_space<hbm>>
      tpu.enqueue_dma source(%dma_start3A_103 : memref<8192xf32, #tpu.memory_space<hbm>>) target(%arg5 : memref<8192xf32, #tpu.memory_space<vmem>>) target_semaphore(%arg10 : memref<!tpu.dma_semaphore, #tpu.memory_space<semaphore_mem>>)
      %dma_start3A_104 = tpu.memref_slice %arg3[%add3A_101] : memref<8388608xf32, #tpu.memory_space<hbm>> -> memref<8192xf32, #tpu.memory_space<hbm>>
      %dma_start3A_105 = tpu.memref_slice %arg3[%add3A_101] : memref<8388608xf32, #tpu.memory_space<hbm>> -> memref<8192xf32, #tpu.memory_space<hbm>>
      tpu.enqueue_dma source(%dma_start3A_105 : memref<8192xf32, #tpu.memory_space<hbm>>) target(%arg7 : memref<8192xf32, #tpu.memory_space<vmem>>) target_semaphore(%arg10 : memref<!tpu.dma_semaphore, #tpu.memory_space<semaphore_mem>>)
      %mul3A_106 = arith.constant 2 : i32
      %mul3A_107 = arith.muli %mul3A_106, %add3A_82 : i32
      %add3A_108 = arith.constant 1 : i32
      %add3A_109 = arith.addi %mul3A_107, %add3A_108 : i32
      %dma_wait3A_110 = tpu.memref_slice %arg2[%mul3A_2] : memref<8388608xf32, #tpu.memory_space<hbm>> -> memref<8192xf32, #tpu.memory_space<hbm>>
      %dma_wait3A_111 = tpu.memref_slice %arg2[%mul3A_2] : memref<8388608xf32, #tpu.memory_space<hbm>> -> memref<8192xf32, #tpu.memory_space<hbm>>
      tpu.wait_dma2 semaphore(%arg11 : memref<!tpu.dma_semaphore, #tpu.memory_space<semaphore_mem>>) src(%dma_wait3A_111 : memref<8192xf32, #tpu.memory_space<hbm>>) dst(%arg6 : memref<8192xf32, #tpu.memory_space<vmem>>)
      %dma_wait3A_112 = tpu.memref_slice %arg3[%mul3A_2] : memref<8388608xf32, #tpu.memory_space<hbm>> -> memref<8192xf32, #tpu.memory_space<hbm>>
      %dma_wait3A_113 = tpu.memref_slice %arg3[%mul3A_2] : memref<8388608xf32, #tpu.memory_space<hbm>> -> memref<8192xf32, #tpu.memory_space<hbm>>
      tpu.wait_dma2 semaphore(%arg11 : memref<!tpu.dma_semaphore, #tpu.memory_space<semaphore_mem>>) src(%dma_wait3A_113 : memref<8192xf32, #tpu.memory_space<hbm>>) dst(%arg8 : memref<8192xf32, #tpu.memory_space<vmem>>)
      %scan3A_114 = arith.constant 0 : i32
      %scan3A_115 = arith.constant 64 : i32
      %scan3A_116 = arith.addi %scan3A_114, %scan3A_115 : i32
      %scan3A_117 = arith.constant 1 : i32
      %scan3A_118:16 = scf.for %scan3A_129 = %scan3A_114 to %scan3A_116 step %scan3A_117 iter_args(%scan3A_130 = %scan3A_95#0, %scan3A_131 = %scan3A_95#1, %scan3A_132 = %scan3A_95#2, %scan3A_133 = %scan3A_95#3, %scan3A_134 = %scan3A_95#4, %scan3A_135 = %scan3A_95#5, %scan3A_136 = %scan3A_95#6, %scan3A_137 = %scan3A_95#7, %scan3A_138 = %scan3A_95#8, %scan3A_139 = %scan3A_95#9, %scan3A_140 = %scan3A_95#10, %scan3A_141 = %scan3A_95#11, %scan3A_142 = %scan3A_95#12, %scan3A_143 = %scan3A_95#13, %scan3A_144 = %scan3A_95#14, %scan3A_145 = %scan3A_95#15) -> (vector<16xf32>, vector<16xf32>, vector<16xf32>, vector<16xf32>, vector<16xf32>, vector<16xf32>, vector<16xf32>, vector<16xf32>, vector<16xf32>, vector<16xf32>, vector<16xf32>, vector<16xf32>, vector<16xf32>, vector<16xf32>, vector<16xf32>, vector<16xf32>)  : i32 {
        %mul3A_146 = arith.constant 1 : i32
        %mul3A_147 = arith.muli %scan3A_129, %mul3A_146 : i32
        %add3A_148 = arith.constant 0 : i32
        %add3A_149 = arith.addi %add3A_148, %mul3A_147 : i32
        %mul3A_150 = arith.constant 128 : i32
        %mul3A_151 = arith.muli %add3A_149, %mul3A_150 : i32
        %add3A_152 = arith.constant 0 : i32
        %add3A_153 = arith.addi %mul3A_151, %add3A_152 : i32
        %get3A = arith.index_cast %add3A_153 : i32 to index
        %get3A_154 = tpu.vector_load %arg6[%get3A] {strides = array<i32>} : memref<8192xf32, #tpu.memory_space<vmem>>, vector<16xf32>,
        %get3A_155 = vector.shape_cast %get3A_154 : vector<16xf32> to vector<16xf32>
        %add3A_156 = arith.constant 0 : i32
        %add3A_157 = arith.addi %mul3A_151, %add3A_156 : i32
        %get3A_158 = arith.index_cast %add3A_157 : i32 to index
        %get3A_159 = tpu.vector_load %arg8[%get3A_158] {strides = array<i32>} : memref<8192xf32, #tpu.memory_space<vmem>>, vector<16xf32>,
        %get3A_160 = vector.shape_cast %get3A_159 : vector<16xf32> to vector<16xf32>
        %sub3A = arith.subf %get3A_160, %get3A_155 : vector<16xf32>
        %le3A = arith.constant 5.500000e-01 : f32
        %le3A_161 = vector.broadcast %le3A : f32 to vector<16xf32>
        %le3A_162 = arith.cmpf ole, %get3A_160, %le3A_161 : vector<16xf32>
        %jit3A = arith.constant 0.666666686 : f32
        %jit3A_163 = arith.constant 1.000000e+00 : f32
        %broadcast_in_dim3A_164 = vector.broadcast %jit3A : f32 to vector<16xf32>
        %broadcast_in_dim3A_165 = vector.broadcast %jit3A_163 : f32 to vector<16xf32>
        %select_n3A = arith.select %le3A_162, %broadcast_in_dim3A_164, %broadcast_in_dim3A_165 : vector<16xi1>, vector<16xf32>
        %add3A_166 = arith.addf %scan3A_130, %select_n3A : vector<16xf32>
        %mul3A_167 = arith.mulf %sub3A, %sub3A : vector<16xf32>
        %mul3A_168 = arith.mulf %select_n3A, %mul3A_167 : vector<16xf32>
        %add3A_169 = arith.addf %scan3A_138, %mul3A_168 : vector<16xf32>
        %add3A_170 = arith.constant 16 : i32
        %add3A_171 = arith.addi %mul3A_151, %add3A_170 : i32
        %get3A_172 = arith.index_cast %add3A_171 : i32 to index
        %get3A_173 = tpu.vector_load %arg6[%get3A_172] {strides = array<i32>} : memref<8192xf32, #tpu.memory_space<vmem>>, vector<16xf32>,
        %get3A_174 = vector.shape_cast %get3A_173 : vector<16xf32> to vector<16xf32>
        %add3A_175 = arith.constant 16 : i32
        %add3A_176 = arith.addi %mul3A_151, %add3A_175 : i32
        %get3A_177 = arith.index_cast %add3A_176 : i32 to index
        %get3A_178 = tpu.vector_load %arg8[%get3A_177] {strides = array<i32>} : memref<8192xf32, #tpu.memory_space<vmem>>, vector<16xf32>,
        %get3A_179 = vector.shape_cast %get3A_178 : vector<16xf32> to vector<16xf32>
        %sub3A_180 = arith.subf %get3A_179, %get3A_174 : vector<16xf32>
        %le3A_181 = arith.constant 5.500000e-01 : f32
        %le3A_182 = vector.broadcast %le3A_181 : f32 to vector<16xf32>
        %le3A_183 = arith.cmpf ole, %get3A_179, %le3A_182 : vector<16xf32>
        %jit3A_184 = arith.constant 0.666666686 : f32
        %jit3A_185 = arith.constant 1.000000e+00 : f32
        %broadcast_in_dim3A_186 = vector.broadcast %jit3A_184 : f32 to vector<16xf32>
        %broadcast_in_dim3A_187 = vector.broadcast %jit3A_185 : f32 to vector<16xf32>
        %select_n3A_188 = arith.select %le3A_183, %broadcast_in_dim3A_186, %broadcast_in_dim3A_187 : vector<16xi1>, vector<16xf32>
        %add3A_189 = arith.addf %scan3A_131, %select_n3A_188 : vector<16xf32>
        %mul3A_190 = arith.mulf %sub3A_180, %sub3A_180 : vector<16xf32>
        %mul3A_191 = arith.mulf %select_n3A_188, %mul3A_190 : vector<16xf32>
        %add3A_192 = arith.addf %scan3A_139, %mul3A_191 : vector<16xf32>
        %add3A_193 = arith.constant 32 : i32
        %add3A_194 = arith.addi %mul3A_151, %add3A_193 : i32
        %get3A_195 = arith.index_cast %add3A_194 : i32 to index
        %get3A_196 = tpu.vector_load %arg6[%get3A_195] {strides = array<i32>} : memref<8192xf32, #tpu.memory_space<vmem>>, vector<16xf32>,
        %get3A_197 = vector.shape_cast %get3A_196 : vector<16xf32> to vector<16xf32>
        %add3A_198 = arith.constant 32 : i32
        %add3A_199 = arith.addi %mul3A_151, %add3A_198 : i32
        %get3A_200 = arith.index_cast %add3A_199 : i32 to index
        %get3A_201 = tpu.vector_load %arg8[%get3A_200] {strides = array<i32>} : memref<8192xf32, #tpu.memory_space<vmem>>, vector<16xf32>,
        %get3A_202 = vector.shape_cast %get3A_201 : vector<16xf32> to vector<16xf32>
        %sub3A_203 = arith.subf %get3A_202, %get3A_197 : vector<16xf32>
        %le3A_204 = arith.constant 5.500000e-01 : f32
        %le3A_205 = vector.broadcast %le3A_204 : f32 to vector<16xf32>
        %le3A_206 = arith.cmpf ole, %get3A_202, %le3A_205 : vector<16xf32>
        %jit3A_207 = arith.constant 0.666666686 : f32
        %jit3A_208 = arith.constant 1.000000e+00 : f32
        %broadcast_in_dim3A_209 = vector.broadcast %jit3A_207 : f32 to vector<16xf32>
        %broadcast_in_dim3A_210 = vector.broadcast %jit3A_208 : f32 to vector<16xf32>
        %select_n3A_211 = arith.select %le3A_206, %broadcast_in_dim3A_209, %broadcast_in_dim3A_210 : vector<16xi1>, vector<16xf32>
        %add3A_212 = arith.addf %scan3A_132, %select_n3A_211 : vector<16xf32>
        %mul3A_213 = arith.mulf %sub3A_203, %sub3A_203 : vector<16xf32>
        %mul3A_214 = arith.mulf %select_n3A_211, %mul3A_213 : vector<16xf32>
        %add3A_215 = arith.addf %scan3A_140, %mul3A_214 : vector<16xf32>
        %add3A_216 = arith.constant 48 : i32
        %add3A_217 = arith.addi %mul3A_151, %add3A_216 : i32
        %get3A_218 = arith.index_cast %add3A_217 : i32 to index
        %get3A_219 = tpu.vector_load %arg6[%get3A_218] {strides = array<i32>} : memref<8192xf32, #tpu.memory_space<vmem>>, vector<16xf32>,
        %get3A_220 = vector.shape_cast %get3A_219 : vector<16xf32> to vector<16xf32>
        %add3A_221 = arith.constant 48 : i32
        %add3A_222 = arith.addi %mul3A_151, %add3A_221 : i32
        %get3A_223 = arith.index_cast %add3A_222 : i32 to index
        %get3A_224 = tpu.vector_load %arg8[%get3A_223] {strides = array<i32>} : memref<8192xf32, #tpu.memory_space<vmem>>, vector<16xf32>,
        %get3A_225 = vector.shape_cast %get3A_224 : vector<16xf32> to vector<16xf32>
        %sub3A_226 = arith.subf %get3A_225, %get3A_220 : vector<16xf32>
        %le3A_227 = arith.constant 5.500000e-01 : f32
        %le3A_228 = vector.broadcast %le3A_227 : f32 to vector<16xf32>
        %le3A_229 = arith.cmpf ole, %get3A_225, %le3A_228 : vector<16xf32>
        %jit3A_230 = arith.constant 0.666666686 : f32
        %jit3A_231 = arith.constant 1.000000e+00 : f32
        %broadcast_in_dim3A_232 = vector.broadcast %jit3A_230 : f32 to vector<16xf32>
        %broadcast_in_dim3A_233 = vector.broadcast %jit3A_231 : f32 to vector<16xf32>
        %select_n3A_234 = arith.select %le3A_229, %broadcast_in_dim3A_232, %broadcast_in_dim3A_233 : vector<16xi1>, vector<16xf32>
        %add3A_235 = arith.addf %scan3A_133, %select_n3A_234 : vector<16xf32>
        %mul3A_236 = arith.mulf %sub3A_226, %sub3A_226 : vector<16xf32>
        %mul3A_237 = arith.mulf %select_n3A_234, %mul3A_236 : vector<16xf32>
        %add3A_238 = arith.addf %scan3A_141, %mul3A_237 : vector<16xf32>
        %add3A_239 = arith.constant 64 : i32
        %add3A_240 = arith.addi %mul3A_151, %add3A_239 : i32
        %get3A_241 = arith.index_cast %add3A_240 : i32 to index
        %get3A_242 = tpu.vector_load %arg6[%get3A_241] {strides = array<i32>} : memref<8192xf32, #tpu.memory_space<vmem>>, vector<16xf32>,
        %get3A_243 = vector.shape_cast %get3A_242 : vector<16xf32> to vector<16xf32>
        %add3A_244 = arith.constant 64 : i32
        %add3A_245 = arith.addi %mul3A_151, %add3A_244 : i32
        %get3A_246 = arith.index_cast %add3A_245 : i32 to index
        %get3A_247 = tpu.vector_load %arg8[%get3A_246] {strides = array<i32>} : memref<8192xf32, #tpu.memory_space<vmem>>, vector<16xf32>,
        %get3A_248 = vector.shape_cast %get3A_247 : vector<16xf32> to vector<16xf32>
        %sub3A_249 = arith.subf %get3A_248, %get3A_243 : vector<16xf32>
        %le3A_250 = arith.constant 5.500000e-01 : f32
        %le3A_251 = vector.broadcast %le3A_250 : f32 to vector<16xf32>
        %le3A_252 = arith.cmpf ole, %get3A_248, %le3A_251 : vector<16xf32>
        %jit3A_253 = arith.constant 0.666666686 : f32
        %jit3A_254 = arith.constant 1.000000e+00 : f32
        %broadcast_in_dim3A_255 = vector.broadcast %jit3A_253 : f32 to vector<16xf32>
        %broadcast_in_dim3A_256 = vector.broadcast %jit3A_254 : f32 to vector<16xf32>
        %select_n3A_257 = arith.select %le3A_252, %broadcast_in_dim3A_255, %broadcast_in_dim3A_256 : vector<16xi1>, vector<16xf32>
        %add3A_258 = arith.addf %scan3A_134, %select_n3A_257 : vector<16xf32>
        %mul3A_259 = arith.mulf %sub3A_249, %sub3A_249 : vector<16xf32>
        %mul3A_260 = arith.mulf %select_n3A_257, %mul3A_259 : vector<16xf32>
        %add3A_261 = arith.addf %scan3A_142, %mul3A_260 : vector<16xf32>
        %add3A_262 = arith.constant 80 : i32
        %add3A_263 = arith.addi %mul3A_151, %add3A_262 : i32
        %get3A_264 = arith.index_cast %add3A_263 : i32 to index
        %get3A_265 = tpu.vector_load %arg6[%get3A_264] {strides = array<i32>} : memref<8192xf32, #tpu.memory_space<vmem>>, vector<16xf32>,
        %get3A_266 = vector.shape_cast %get3A_265 : vector<16xf32> to vector<16xf32>
        %add3A_267 = arith.constant 80 : i32
        %add3A_268 = arith.addi %mul3A_151, %add3A_267 : i32
        %get3A_269 = arith.index_cast %add3A_268 : i32 to index
        %get3A_270 = tpu.vector_load %arg8[%get3A_269] {strides = array<i32>} : memref<8192xf32, #tpu.memory_space<vmem>>, vector<16xf32>,
        %get3A_271 = vector.shape_cast %get3A_270 : vector<16xf32> to vector<16xf32>
        %sub3A_272 = arith.subf %get3A_271, %get3A_266 : vector<16xf32>
        %le3A_273 = arith.constant 5.500000e-01 : f32
        %le3A_274 = vector.broadcast %le3A_273 : f32 to vector<16xf32>
        %le3A_275 = arith.cmpf ole, %get3A_271, %le3A_274 : vector<16xf32>
        %jit3A_276 = arith.constant 0.666666686 : f32
        %jit3A_277 = arith.constant 1.000000e+00 : f32
        %broadcast_in_dim3A_278 = vector.broadcast %jit3A_276 : f32 to vector<16xf32>
        %broadcast_in_dim3A_279 = vector.broadcast %jit3A_277 : f32 to vector<16xf32>
        %select_n3A_280 = arith.select %le3A_275, %broadcast_in_dim3A_278, %broadcast_in_dim3A_279 : vector<16xi1>, vector<16xf32>
        %add3A_281 = arith.addf %scan3A_135, %select_n3A_280 : vector<16xf32>
        %mul3A_282 = arith.mulf %sub3A_272, %sub3A_272 : vector<16xf32>
        %mul3A_283 = arith.mulf %select_n3A_280, %mul3A_282 : vector<16xf32>
        %add3A_284 = arith.addf %scan3A_143, %mul3A_283 : vector<16xf32>
        %add3A_285 = arith.constant 96 : i32
        %add3A_286 = arith.addi %mul3A_151, %add3A_285 : i32
        %get3A_287 = arith.index_cast %add3A_286 : i32 to index
        %get3A_288 = tpu.vector_load %arg6[%get3A_287] {strides = array<i32>} : memref<8192xf32, #tpu.memory_space<vmem>>, vector<16xf32>,
        %get3A_289 = vector.shape_cast %get3A_288 : vector<16xf32> to vector<16xf32>
        %add3A_290 = arith.constant 96 : i32
        %add3A_291 = arith.addi %mul3A_151, %add3A_290 : i32
        %get3A_292 = arith.index_cast %add3A_291 : i32 to index
        %get3A_293 = tpu.vector_load %arg8[%get3A_292] {strides = array<i32>} : memref<8192xf32, #tpu.memory_space<vmem>>, vector<16xf32>,
        %get3A_294 = vector.shape_cast %get3A_293 : vector<16xf32> to vector<16xf32>
        %sub3A_295 = arith.subf %get3A_294, %get3A_289 : vector<16xf32>
        %le3A_296 = arith.constant 5.500000e-01 : f32
        %le3A_297 = vector.broadcast %le3A_296 : f32 to vector<16xf32>
        %le3A_298 = arith.cmpf ole, %get3A_294, %le3A_297 : vector<16xf32>
        %jit3A_299 = arith.constant 0.666666686 : f32
        %jit3A_300 = arith.constant 1.000000e+00 : f32
        %broadcast_in_dim3A_301 = vector.broadcast %jit3A_299 : f32 to vector<16xf32>
        %broadcast_in_dim3A_302 = vector.broadcast %jit3A_300 : f32 to vector<16xf32>
        %select_n3A_303 = arith.select %le3A_298, %broadcast_in_dim3A_301, %broadcast_in_dim3A_302 : vector<16xi1>, vector<16xf32>
        %add3A_304 = arith.addf %scan3A_136, %select_n3A_303 : vector<16xf32>
        %mul3A_305 = arith.mulf %sub3A_295, %sub3A_295 : vector<16xf32>
        %mul3A_306 = arith.mulf %select_n3A_303, %mul3A_305 : vector<16xf32>
        %add3A_307 = arith.addf %scan3A_144, %mul3A_306 : vector<16xf32>
        %add3A_308 = arith.constant 112 : i32
        %add3A_309 = arith.addi %mul3A_151, %add3A_308 : i32
        %get3A_310 = arith.index_cast %add3A_309 : i32 to index
        %get3A_311 = tpu.vector_load %arg6[%get3A_310] {strides = array<i32>} : memref<8192xf32, #tpu.memory_space<vmem>>, vector<16xf32>,
        %get3A_312 = vector.shape_cast %get3A_311 : vector<16xf32> to vector<16xf32>
        %add3A_313 = arith.constant 112 : i32
        %add3A_314 = arith.addi %mul3A_151, %add3A_313 : i32
        %get3A_315 = arith.index_cast %add3A_314 : i32 to index
        %get3A_316 = tpu.vector_load %arg8[%get3A_315] {strides = array<i32>} : memref<8192xf32, #tpu.memory_space<vmem>>, vector<16xf32>,
        %get3A_317 = vector.shape_cast %get3A_316 : vector<16xf32> to vector<16xf32>
        %sub3A_318 = arith.subf %get3A_317, %get3A_312 : vector<16xf32>
        %le3A_319 = arith.constant 5.500000e-01 : f32
        %le3A_320 = vector.broadcast %le3A_319 : f32 to vector<16xf32>
        %le3A_321 = arith.cmpf ole, %get3A_317, %le3A_320 : vector<16xf32>
        %jit3A_322 = arith.constant 0.666666686 : f32
        %jit3A_323 = arith.constant 1.000000e+00 : f32
        %broadcast_in_dim3A_324 = vector.broadcast %jit3A_322 : f32 to vector<16xf32>
        %broadcast_in_dim3A_325 = vector.broadcast %jit3A_323 : f32 to vector<16xf32>
        %select_n3A_326 = arith.select %le3A_321, %broadcast_in_dim3A_324, %broadcast_in_dim3A_325 : vector<16xi1>, vector<16xf32>
        %add3A_327 = arith.addf %scan3A_137, %select_n3A_326 : vector<16xf32>
        %mul3A_328 = arith.mulf %sub3A_318, %sub3A_318 : vector<16xf32>
        %mul3A_329 = arith.mulf %select_n3A_326, %mul3A_328 : vector<16xf32>
        %add3A_330 = arith.addf %scan3A_145, %mul3A_329 : vector<16xf32>
        scf.yield %add3A_166, %add3A_189, %add3A_212, %add3A_235, %add3A_258, %add3A_281, %add3A_304, %add3A_327, %add3A_169, %add3A_192, %add3A_215, %add3A_238, %add3A_261, %add3A_284, %add3A_307, %add3A_330 : vector<16xf32>, vector<16xf32>, vector<16xf32>, vector<16xf32>, vector<16xf32>, vector<16xf32>, vector<16xf32>, vector<16xf32>, vector<16xf32>, vector<16xf32>, vector<16xf32>, vector<16xf32>, vector<16xf32>, vector<16xf32>, vector<16xf32>, vector<16xf32>
      }
      %scan3A_119 = arith.constant 64 : i32
      %add3A_120 = arith.constant 2 : i32
      %add3A_121 = arith.addi %add3A_109, %add3A_120 : i32
      %mul3A_122 = arith.constant 8192 : i32
      %mul3A_123 = arith.muli %add3A_121, %mul3A_122 : i32
      %add3A_124 = arith.addi %mul3A_2, %mul3A_123 : i32
      %dma_start3A_125 = tpu.memref_slice %arg2[%add3A_124] : memref<8388608xf32, #tpu.memory_space<hbm>> -> memref<8192xf32, #tpu.memory_space<hbm>>
      %dma_start3A_126 = tpu.memref_slice %arg2[%add3A_124] : memref<8388608xf32, #tpu.memory_space<hbm>> -> memref<8192xf32, #tpu.memory_space<hbm>>
      tpu.enqueue_dma source(%dma_start3A_126 : memref<8192xf32, #tpu.memory_space<hbm>>) target(%arg6 : memref<8192xf32, #tpu.memory_space<vmem>>) target_semaphore(%arg11 : memref<!tpu.dma_semaphore, #tpu.memory_space<semaphore_mem>>)
      %dma_start3A_127 = tpu.memref_slice %arg3[%add3A_124] : memref<8388608xf32, #tpu.memory_space<hbm>> -> memref<8192xf32, #tpu.memory_space<hbm>>
      %dma_start3A_128 = tpu.memref_slice %arg3[%add3A_124] : memref<8388608xf32, #tpu.memory_space<hbm>> -> memref<8192xf32, #tpu.memory_space<hbm>>
      tpu.enqueue_dma source(%dma_start3A_128 : memref<8192xf32, #tpu.memory_space<hbm>>) target(%arg8 : memref<8192xf32, #tpu.memory_space<vmem>>) target_semaphore(%arg11 : memref<!tpu.dma_semaphore, #tpu.memory_space<semaphore_mem>>)
      scf.yield %scan3A_118#0, %scan3A_118#1, %scan3A_118#2, %scan3A_118#3, %scan3A_118#4, %scan3A_118#5, %scan3A_118#6, %scan3A_118#7, %scan3A_118#8, %scan3A_118#9, %scan3A_118#10, %scan3A_118#11, %scan3A_118#12, %scan3A_118#13, %scan3A_118#14, %scan3A_118#15 : vector<16xf32>, vector<16xf32>, vector<16xf32>, vector<16xf32>, vector<16xf32>, vector<16xf32>, vector<16xf32>, vector<16xf32>, vector<16xf32>, vector<16xf32>, vector<16xf32>, vector<16xf32>, vector<16xf32>, vector<16xf32>, vector<16xf32>, vector<16xf32>
    }
    %scan3A_17 = arith.constant 3 : i32
    %dma_wait3A = tpu.memref_slice %arg2[%mul3A_2] : memref<8388608xf32, #tpu.memory_space<hbm>> -> memref<8192xf32, #tpu.memory_space<hbm>>
    %dma_wait3A_18 = tpu.memref_slice %arg2[%mul3A_2] : memref<8388608xf32, #tpu.memory_space<hbm>> -> memref<8192xf32, #tpu.memory_space<hbm>>
    tpu.wait_dma2 semaphore(%arg10 : memref<!tpu.dma_semaphore, #tpu.memory_space<semaphore_mem>>) src(%dma_wait3A_18 : memref<8192xf32, #tpu.memory_space<hbm>>) dst(%arg5 : memref<8192xf32, #tpu.memory_space<vmem>>)
    %dma_wait3A_19 = tpu.memref_slice %arg3[%mul3A_2] : memref<8388608xf32, #tpu.memory_space<hbm>> -> memref<8192xf32, #tpu.memory_space<hbm>>
    %dma_wait3A_20 = tpu.memref_slice %arg3[%mul3A_2] : memref<8388608xf32, #tpu.memory_space<hbm>> -> memref<8192xf32, #tpu.memory_space<hbm>>
    tpu.wait_dma2 semaphore(%arg10 : memref<!tpu.dma_semaphore, #tpu.memory_space<semaphore_mem>>) src(%dma_wait3A_20 : memref<8192xf32, #tpu.memory_space<hbm>>) dst(%arg7 : memref<8192xf32, #tpu.memory_space<vmem>>)
    %scan3A_21 = arith.constant 0 : i32
    %scan3A_22 = arith.constant 64 : i32
    %scan3A_23 = arith.addi %scan3A_21, %scan3A_22 : i32
    %scan3A_24 = arith.constant 1 : i32
    %scan3A_25:16 = scf.for %scan3A_62 = %scan3A_21 to %scan3A_23 step %scan3A_24 iter_args(%scan3A_63 = %scan3A_16#0, %scan3A_64 = %scan3A_16#1, %scan3A_65 = %scan3A_16#2, %scan3A_66 = %scan3A_16#3, %scan3A_67 = %scan3A_16#4, %scan3A_68 = %scan3A_16#5, %scan3A_69 = %scan3A_16#6, %scan3A_70 = %scan3A_16#7, %scan3A_71 = %scan3A_16#8, %scan3A_72 = %scan3A_16#9, %scan3A_73 = %scan3A_16#10, %scan3A_74 = %scan3A_16#11, %scan3A_75 = %scan3A_16#12, %scan3A_76 = %scan3A_16#13, %scan3A_77 = %scan3A_16#14, %scan3A_78 = %scan3A_16#15) -> (vector<16xf32>, vector<16xf32>, vector<16xf32>, vector<16xf32>, vector<16xf32>, vector<16xf32>, vector<16xf32>, vector<16xf32>, vector<16xf32>, vector<16xf32>, vector<16xf32>, vector<16xf32>, vector<16xf32>, vector<16xf32>, vector<16xf32>, vector<16xf32>)  : i32 {
      %mul3A_79 = arith.constant 1 : i32
      %mul3A_80 = arith.muli %scan3A_62, %mul3A_79 : i32
      %add3A_81 = arith.constant 0 : i32
      %add3A_82 = arith.addi %add3A_81, %mul3A_80 : i32
      %mul3A_83 = arith.constant 128 : i32
      %mul3A_84 = arith.muli %add3A_82, %mul3A_83 : i32
      %add3A_85 = arith.constant 0 : i32
      %add3A_86 = arith.addi %mul3A_84, %add3A_85 : i32
      %get3A = arith.index_cast %add3A_86 : i32 to index
      %get3A_87 = tpu.vector_load %arg5[%get3A] {strides = array<i32>} : memref<8192xf32, #tpu.memory_space<vmem>>, vector<16xf32>,
      %get3A_88 = vector.shape_cast %get3A_87 : vector<16xf32> to vector<16xf32>
      %add3A_89 = arith.constant 0 : i32
      %add3A_90 = arith.addi %mul3A_84, %add3A_89 : i32
      %get3A_91 = arith.index_cast %add3A_90 : i32 to index
      %get3A_92 = tpu.vector_load %arg7[%get3A_91] {strides = array<i32>} : memref<8192xf32, #tpu.memory_space<vmem>>, vector<16xf32>,
      %get3A_93 = vector.shape_cast %get3A_92 : vector<16xf32> to vector<16xf32>
      %sub3A = arith.subf %get3A_93, %get3A_88 : vector<16xf32>
      %le3A = arith.constant 5.500000e-01 : f32
      %le3A_94 = vector.broadcast %le3A : f32 to vector<16xf32>
      %le3A_95 = arith.cmpf ole, %get3A_93, %le3A_94 : vector<16xf32>
      %jit3A = arith.constant 0.666666686 : f32
      %jit3A_96 = arith.constant 1.000000e+00 : f32
      %broadcast_in_dim3A_97 = vector.broadcast %jit3A : f32 to vector<16xf32>
      %broadcast_in_dim3A_98 = vector.broadcast %jit3A_96 : f32 to vector<16xf32>
      %select_n3A = arith.select %le3A_95, %broadcast_in_dim3A_97, %broadcast_in_dim3A_98 : vector<16xi1>, vector<16xf32>
      %add3A_99 = arith.addf %scan3A_63, %select_n3A : vector<16xf32>
      %mul3A_100 = arith.mulf %sub3A, %sub3A : vector<16xf32>
      %mul3A_101 = arith.mulf %select_n3A, %mul3A_100 : vector<16xf32>
      %add3A_102 = arith.addf %scan3A_71, %mul3A_101 : vector<16xf32>
      %add3A_103 = arith.constant 16 : i32
      %add3A_104 = arith.addi %mul3A_84, %add3A_103 : i32
      %get3A_105 = arith.index_cast %add3A_104 : i32 to index
      %get3A_106 = tpu.vector_load %arg5[%get3A_105] {strides = array<i32>} : memref<8192xf32, #tpu.memory_space<vmem>>, vector<16xf32>,
      %get3A_107 = vector.shape_cast %get3A_106 : vector<16xf32> to vector<16xf32>
      %add3A_108 = arith.constant 16 : i32
      %add3A_109 = arith.addi %mul3A_84, %add3A_108 : i32
      %get3A_110 = arith.index_cast %add3A_109 : i32 to index
      %get3A_111 = tpu.vector_load %arg7[%get3A_110] {strides = array<i32>} : memref<8192xf32, #tpu.memory_space<vmem>>, vector<16xf32>,
      %get3A_112 = vector.shape_cast %get3A_111 : vector<16xf32> to vector<16xf32>
      %sub3A_113 = arith.subf %get3A_112, %get3A_107 : vector<16xf32>
      %le3A_114 = arith.constant 5.500000e-01 : f32
      %le3A_115 = vector.broadcast %le3A_114 : f32 to vector<16xf32>
      %le3A_116 = arith.cmpf ole, %get3A_112, %le3A_115 : vector<16xf32>
      %jit3A_117 = arith.constant 0.666666686 : f32
      %jit3A_118 = arith.constant 1.000000e+00 : f32
      %broadcast_in_dim3A_119 = vector.broadcast %jit3A_117 : f32 to vector<16xf32>
      %broadcast_in_dim3A_120 = vector.broadcast %jit3A_118 : f32 to vector<16xf32>
      %select_n3A_121 = arith.select %le3A_116, %broadcast_in_dim3A_119, %broadcast_in_dim3A_120 : vector<16xi1>, vector<16xf32>
      %add3A_122 = arith.addf %scan3A_64, %select_n3A_121 : vector<16xf32>
      %mul3A_123 = arith.mulf %sub3A_113, %sub3A_113 : vector<16xf32>
      %mul3A_124 = arith.mulf %select_n3A_121, %mul3A_123 : vector<16xf32>
      %add3A_125 = arith.addf %scan3A_72, %mul3A_124 : vector<16xf32>
      %add3A_126 = arith.constant 32 : i32
      %add3A_127 = arith.addi %mul3A_84, %add3A_126 : i32
      %get3A_128 = arith.index_cast %add3A_127 : i32 to index
      %get3A_129 = tpu.vector_load %arg5[%get3A_128] {strides = array<i32>} : memref<8192xf32, #tpu.memory_space<vmem>>, vector<16xf32>,
      %get3A_130 = vector.shape_cast %get3A_129 : vector<16xf32> to vector<16xf32>
      %add3A_131 = arith.constant 32 : i32
      %add3A_132 = arith.addi %mul3A_84, %add3A_131 : i32
      %get3A_133 = arith.index_cast %add3A_132 : i32 to index
      %get3A_134 = tpu.vector_load %arg7[%get3A_133] {strides = array<i32>} : memref<8192xf32, #tpu.memory_space<vmem>>, vector<16xf32>,
      %get3A_135 = vector.shape_cast %get3A_134 : vector<16xf32> to vector<16xf32>
      %sub3A_136 = arith.subf %get3A_135, %get3A_130 : vector<16xf32>
      %le3A_137 = arith.constant 5.500000e-01 : f32
      %le3A_138 = vector.broadcast %le3A_137 : f32 to vector<16xf32>
      %le3A_139 = arith.cmpf ole, %get3A_135, %le3A_138 : vector<16xf32>
      %jit3A_140 = arith.constant 0.666666686 : f32
      %jit3A_141 = arith.constant 1.000000e+00 : f32
      %broadcast_in_dim3A_142 = vector.broadcast %jit3A_140 : f32 to vector<16xf32>
      %broadcast_in_dim3A_143 = vector.broadcast %jit3A_141 : f32 to vector<16xf32>
      %select_n3A_144 = arith.select %le3A_139, %broadcast_in_dim3A_142, %broadcast_in_dim3A_143 : vector<16xi1>, vector<16xf32>
      %add3A_145 = arith.addf %scan3A_65, %select_n3A_144 : vector<16xf32>
      %mul3A_146 = arith.mulf %sub3A_136, %sub3A_136 : vector<16xf32>
      %mul3A_147 = arith.mulf %select_n3A_144, %mul3A_146 : vector<16xf32>
      %add3A_148 = arith.addf %scan3A_73, %mul3A_147 : vector<16xf32>
      %add3A_149 = arith.constant 48 : i32
      %add3A_150 = arith.addi %mul3A_84, %add3A_149 : i32
      %get3A_151 = arith.index_cast %add3A_150 : i32 to index
      %get3A_152 = tpu.vector_load %arg5[%get3A_151] {strides = array<i32>} : memref<8192xf32, #tpu.memory_space<vmem>>, vector<16xf32>,
      %get3A_153 = vector.shape_cast %get3A_152 : vector<16xf32> to vector<16xf32>
      %add3A_154 = arith.constant 48 : i32
      %add3A_155 = arith.addi %mul3A_84, %add3A_154 : i32
      %get3A_156 = arith.index_cast %add3A_155 : i32 to index
      %get3A_157 = tpu.vector_load %arg7[%get3A_156] {strides = array<i32>} : memref<8192xf32, #tpu.memory_space<vmem>>, vector<16xf32>,
      %get3A_158 = vector.shape_cast %get3A_157 : vector<16xf32> to vector<16xf32>
      %sub3A_159 = arith.subf %get3A_158, %get3A_153 : vector<16xf32>
      %le3A_160 = arith.constant 5.500000e-01 : f32
      %le3A_161 = vector.broadcast %le3A_160 : f32 to vector<16xf32>
      %le3A_162 = arith.cmpf ole, %get3A_158, %le3A_161 : vector<16xf32>
      %jit3A_163 = arith.constant 0.666666686 : f32
      %jit3A_164 = arith.constant 1.000000e+00 : f32
      %broadcast_in_dim3A_165 = vector.broadcast %jit3A_163 : f32 to vector<16xf32>
      %broadcast_in_dim3A_166 = vector.broadcast %jit3A_164 : f32 to vector<16xf32>
      %select_n3A_167 = arith.select %le3A_162, %broadcast_in_dim3A_165, %broadcast_in_dim3A_166 : vector<16xi1>, vector<16xf32>
      %add3A_168 = arith.addf %scan3A_66, %select_n3A_167 : vector<16xf32>
      %mul3A_169 = arith.mulf %sub3A_159, %sub3A_159 : vector<16xf32>
      %mul3A_170 = arith.mulf %select_n3A_167, %mul3A_169 : vector<16xf32>
      %add3A_171 = arith.addf %scan3A_74, %mul3A_170 : vector<16xf32>
      %add3A_172 = arith.constant 64 : i32
      %add3A_173 = arith.addi %mul3A_84, %add3A_172 : i32
      %get3A_174 = arith.index_cast %add3A_173 : i32 to index
      %get3A_175 = tpu.vector_load %arg5[%get3A_174] {strides = array<i32>} : memref<8192xf32, #tpu.memory_space<vmem>>, vector<16xf32>,
      %get3A_176 = vector.shape_cast %get3A_175 : vector<16xf32> to vector<16xf32>
      %add3A_177 = arith.constant 64 : i32
      %add3A_178 = arith.addi %mul3A_84, %add3A_177 : i32
      %get3A_179 = arith.index_cast %add3A_178 : i32 to index
      %get3A_180 = tpu.vector_load %arg7[%get3A_179] {strides = array<i32>} : memref<8192xf32, #tpu.memory_space<vmem>>, vector<16xf32>,
      %get3A_181 = vector.shape_cast %get3A_180 : vector<16xf32> to vector<16xf32>
      %sub3A_182 = arith.subf %get3A_181, %get3A_176 : vector<16xf32>
      %le3A_183 = arith.constant 5.500000e-01 : f32
      %le3A_184 = vector.broadcast %le3A_183 : f32 to vector<16xf32>
      %le3A_185 = arith.cmpf ole, %get3A_181, %le3A_184 : vector<16xf32>
      %jit3A_186 = arith.constant 0.666666686 : f32
      %jit3A_187 = arith.constant 1.000000e+00 : f32
      %broadcast_in_dim3A_188 = vector.broadcast %jit3A_186 : f32 to vector<16xf32>
      %broadcast_in_dim3A_189 = vector.broadcast %jit3A_187 : f32 to vector<16xf32>
      %select_n3A_190 = arith.select %le3A_185, %broadcast_in_dim3A_188, %broadcast_in_dim3A_189 : vector<16xi1>, vector<16xf32>
      %add3A_191 = arith.addf %scan3A_67, %select_n3A_190 : vector<16xf32>
      %mul3A_192 = arith.mulf %sub3A_182, %sub3A_182 : vector<16xf32>
      %mul3A_193 = arith.mulf %select_n3A_190, %mul3A_192 : vector<16xf32>
      %add3A_194 = arith.addf %scan3A_75, %mul3A_193 : vector<16xf32>
      %add3A_195 = arith.constant 80 : i32
      %add3A_196 = arith.addi %mul3A_84, %add3A_195 : i32
      %get3A_197 = arith.index_cast %add3A_196 : i32 to index
      %get3A_198 = tpu.vector_load %arg5[%get3A_197] {strides = array<i32>} : memref<8192xf32, #tpu.memory_space<vmem>>, vector<16xf32>,
      %get3A_199 = vector.shape_cast %get3A_198 : vector<16xf32> to vector<16xf32>
      %add3A_200 = arith.constant 80 : i32
      %add3A_201 = arith.addi %mul3A_84, %add3A_200 : i32
      %get3A_202 = arith.index_cast %add3A_201 : i32 to index
      %get3A_203 = tpu.vector_load %arg7[%get3A_202] {strides = array<i32>} : memref<8192xf32, #tpu.memory_space<vmem>>, vector<16xf32>,
      %get3A_204 = vector.shape_cast %get3A_203 : vector<16xf32> to vector<16xf32>
      %sub3A_205 = arith.subf %get3A_204, %get3A_199 : vector<16xf32>
      %le3A_206 = arith.constant 5.500000e-01 : f32
      %le3A_207 = vector.broadcast %le3A_206 : f32 to vector<16xf32>
      %le3A_208 = arith.cmpf ole, %get3A_204, %le3A_207 : vector<16xf32>
      %jit3A_209 = arith.constant 0.666666686 : f32
      %jit3A_210 = arith.constant 1.000000e+00 : f32
      %broadcast_in_dim3A_211 = vector.broadcast %jit3A_209 : f32 to vector<16xf32>
      %broadcast_in_dim3A_212 = vector.broadcast %jit3A_210 : f32 to vector<16xf32>
      %select_n3A_213 = arith.select %le3A_208, %broadcast_in_dim3A_211, %broadcast_in_dim3A_212 : vector<16xi1>, vector<16xf32>
      %add3A_214 = arith.addf %scan3A_68, %select_n3A_213 : vector<16xf32>
      %mul3A_215 = arith.mulf %sub3A_205, %sub3A_205 : vector<16xf32>
      %mul3A_216 = arith.mulf %select_n3A_213, %mul3A_215 : vector<16xf32>
      %add3A_217 = arith.addf %scan3A_76, %mul3A_216 : vector<16xf32>
      %add3A_218 = arith.constant 96 : i32
      %add3A_219 = arith.addi %mul3A_84, %add3A_218 : i32
      %get3A_220 = arith.index_cast %add3A_219 : i32 to index
      %get3A_221 = tpu.vector_load %arg5[%get3A_220] {strides = array<i32>} : memref<8192xf32, #tpu.memory_space<vmem>>, vector<16xf32>,
      %get3A_222 = vector.shape_cast %get3A_221 : vector<16xf32> to vector<16xf32>
      %add3A_223 = arith.constant 96 : i32
      %add3A_224 = arith.addi %mul3A_84, %add3A_223 : i32
      %get3A_225 = arith.index_cast %add3A_224 : i32 to index
      %get3A_226 = tpu.vector_load %arg7[%get3A_225] {strides = array<i32>} : memref<8192xf32, #tpu.memory_space<vmem>>, vector<16xf32>,
      %get3A_227 = vector.shape_cast %get3A_226 : vector<16xf32> to vector<16xf32>
      %sub3A_228 = arith.subf %get3A_227, %get3A_222 : vector<16xf32>
      %le3A_229 = arith.constant 5.500000e-01 : f32
      %le3A_230 = vector.broadcast %le3A_229 : f32 to vector<16xf32>
      %le3A_231 = arith.cmpf ole, %get3A_227, %le3A_230 : vector<16xf32>
      %jit3A_232 = arith.constant 0.666666686 : f32
      %jit3A_233 = arith.constant 1.000000e+00 : f32
      %broadcast_in_dim3A_234 = vector.broadcast %jit3A_232 : f32 to vector<16xf32>
      %broadcast_in_dim3A_235 = vector.broadcast %jit3A_233 : f32 to vector<16xf32>
      %select_n3A_236 = arith.select %le3A_231, %broadcast_in_dim3A_234, %broadcast_in_dim3A_235 : vector<16xi1>, vector<16xf32>
      %add3A_237 = arith.addf %scan3A_69, %select_n3A_236 : vector<16xf32>
      %mul3A_238 = arith.mulf %sub3A_228, %sub3A_228 : vector<16xf32>
      %mul3A_239 = arith.mulf %select_n3A_236, %mul3A_238 : vector<16xf32>
      %add3A_240 = arith.addf %scan3A_77, %mul3A_239 : vector<16xf32>
      %add3A_241 = arith.constant 112 : i32
      %add3A_242 = arith.addi %mul3A_84, %add3A_241 : i32
      %get3A_243 = arith.index_cast %add3A_242 : i32 to index
      %get3A_244 = tpu.vector_load %arg5[%get3A_243] {strides = array<i32>} : memref<8192xf32, #tpu.memory_space<vmem>>, vector<16xf32>,
      %get3A_245 = vector.shape_cast %get3A_244 : vector<16xf32> to vector<16xf32>
      %add3A_246 = arith.constant 112 : i32
      %add3A_247 = arith.addi %mul3A_84, %add3A_246 : i32
      %get3A_248 = arith.index_cast %add3A_247 : i32 to index
      %get3A_249 = tpu.vector_load %arg7[%get3A_248] {strides = array<i32>} : memref<8192xf32, #tpu.memory_space<vmem>>, vector<16xf32>,
      %get3A_250 = vector.shape_cast %get3A_249 : vector<16xf32> to vector<16xf32>
      %sub3A_251 = arith.subf %get3A_250, %get3A_245 : vector<16xf32>
      %le3A_252 = arith.constant 5.500000e-01 : f32
      %le3A_253 = vector.broadcast %le3A_252 : f32 to vector<16xf32>
      %le3A_254 = arith.cmpf ole, %get3A_250, %le3A_253 : vector<16xf32>
      %jit3A_255 = arith.constant 0.666666686 : f32
      %jit3A_256 = arith.constant 1.000000e+00 : f32
      %broadcast_in_dim3A_257 = vector.broadcast %jit3A_255 : f32 to vector<16xf32>
      %broadcast_in_dim3A_258 = vector.broadcast %jit3A_256 : f32 to vector<16xf32>
      %select_n3A_259 = arith.select %le3A_254, %broadcast_in_dim3A_257, %broadcast_in_dim3A_258 : vector<16xi1>, vector<16xf32>
      %add3A_260 = arith.addf %scan3A_70, %select_n3A_259 : vector<16xf32>
      %mul3A_261 = arith.mulf %sub3A_251, %sub3A_251 : vector<16xf32>
      %mul3A_262 = arith.mulf %select_n3A_259, %mul3A_261 : vector<16xf32>
      %add3A_263 = arith.addf %scan3A_78, %mul3A_262 : vector<16xf32>
      scf.yield %add3A_99, %add3A_122, %add3A_145, %add3A_168, %add3A_191, %add3A_214, %add3A_237, %add3A_260, %add3A_102, %add3A_125, %add3A_148, %add3A_171, %add3A_194, %add3A_217, %add3A_240, %add3A_263 : vector<16xf32>, vector<16xf32>, vector<16xf32>, vector<16xf32>, vector<16xf32>, vector<16xf32>, vector<16xf32>, vector<16xf32>, vector<16xf32>, vector<16xf32>, vector<16xf32>, vector<16xf32>, vector<16xf32>, vector<16xf32>, vector<16xf32>, vector<16xf32>
    }
    %scan3A_26 = arith.constant 64 : i32
    %dma_wait3A_27 = tpu.memref_slice %arg2[%mul3A_2] : memref<8388608xf32, #tpu.memory_space<hbm>> -> memref<8192xf32, #tpu.memory_space<hbm>>
    %dma_wait3A_28 = tpu.memref_slice %arg2[%mul3A_2] : memref<8388608xf32, #tpu.memory_space<hbm>> -> memref<8192xf32, #tpu.memory_space<hbm>>
    tpu.wait_dma2 semaphore(%arg11 : memref<!tpu.dma_semaphore, #tpu.memory_space<semaphore_mem>>) src(%dma_wait3A_28 : memref<8192xf32, #tpu.memory_space<hbm>>) dst(%arg6 : memref<8192xf32, #tpu.memory_space<vmem>>)
    %dma_wait3A_29 = tpu.memref_slice %arg3[%mul3A_2] : memref<8388608xf32, #tpu.memory_space<hbm>> -> memref<8192xf32, #tpu.memory_space<hbm>>
    %dma_wait3A_30 = tpu.memref_slice %arg3[%mul3A_2] : memref<8388608xf32, #tpu.memory_space<hbm>> -> memref<8192xf32, #tpu.memory_space<hbm>>
    tpu.wait_dma2 semaphore(%arg11 : memref<!tpu.dma_semaphore, #tpu.memory_space<semaphore_mem>>) src(%dma_wait3A_30 : memref<8192xf32, #tpu.memory_space<hbm>>) dst(%arg8 : memref<8192xf32, #tpu.memory_space<vmem>>)
    %scan3A_31 = arith.constant 0 : i32
    %scan3A_32 = arith.constant 64 : i32
    %scan3A_33 = arith.addi %scan3A_31, %scan3A_32 : i32
    %scan3A_34 = arith.constant 1 : i32
    %scan3A_35:16 = scf.for %scan3A_62 = %scan3A_31 to %scan3A_33 step %scan3A_34 iter_args(%scan3A_63 = %scan3A_25#0, %scan3A_64 = %scan3A_25#1, %scan3A_65 = %scan3A_25#2, %scan3A_66 = %scan3A_25#3, %scan3A_67 = %scan3A_25#4, %scan3A_68 = %scan3A_25#5, %scan3A_69 = %scan3A_25#6, %scan3A_70 = %scan3A_25#7, %scan3A_71 = %scan3A_25#8, %scan3A_72 = %scan3A_25#9, %scan3A_73 = %scan3A_25#10, %scan3A_74 = %scan3A_25#11, %scan3A_75 = %scan3A_25#12, %scan3A_76 = %scan3A_25#13, %scan3A_77 = %scan3A_25#14, %scan3A_78 = %scan3A_25#15) -> (vector<16xf32>, vector<16xf32>, vector<16xf32>, vector<16xf32>, vector<16xf32>, vector<16xf32>, vector<16xf32>, vector<16xf32>, vector<16xf32>, vector<16xf32>, vector<16xf32>, vector<16xf32>, vector<16xf32>, vector<16xf32>, vector<16xf32>, vector<16xf32>)  : i32 {
      %mul3A_79 = arith.constant 1 : i32
      %mul3A_80 = arith.muli %scan3A_62, %mul3A_79 : i32
      %add3A_81 = arith.constant 0 : i32
      %add3A_82 = arith.addi %add3A_81, %mul3A_80 : i32
      %mul3A_83 = arith.constant 128 : i32
      %mul3A_84 = arith.muli %add3A_82, %mul3A_83 : i32
      %add3A_85 = arith.constant 0 : i32
      %add3A_86 = arith.addi %mul3A_84, %add3A_85 : i32
      %get3A = arith.index_cast %add3A_86 : i32 to index
      %get3A_87 = tpu.vector_load %arg6[%get3A] {strides = array<i32>} : memref<8192xf32, #tpu.memory_space<vmem>>, vector<16xf32>,
      %get3A_88 = vector.shape_cast %get3A_87 : vector<16xf32> to vector<16xf32>
      %add3A_89 = arith.constant 0 : i32
      %add3A_90 = arith.addi %mul3A_84, %add3A_89 : i32
      %get3A_91 = arith.index_cast %add3A_90 : i32 to index
      %get3A_92 = tpu.vector_load %arg8[%get3A_91] {strides = array<i32>} : memref<8192xf32, #tpu.memory_space<vmem>>, vector<16xf32>,
      %get3A_93 = vector.shape_cast %get3A_92 : vector<16xf32> to vector<16xf32>
      %sub3A = arith.subf %get3A_93, %get3A_88 : vector<16xf32>
      %le3A = arith.constant 5.500000e-01 : f32
      %le3A_94 = vector.broadcast %le3A : f32 to vector<16xf32>
      %le3A_95 = arith.cmpf ole, %get3A_93, %le3A_94 : vector<16xf32>
      %jit3A = arith.constant 0.666666686 : f32
      %jit3A_96 = arith.constant 1.000000e+00 : f32
      %broadcast_in_dim3A_97 = vector.broadcast %jit3A : f32 to vector<16xf32>
      %broadcast_in_dim3A_98 = vector.broadcast %jit3A_96 : f32 to vector<16xf32>
      %select_n3A = arith.select %le3A_95, %broadcast_in_dim3A_97, %broadcast_in_dim3A_98 : vector<16xi1>, vector<16xf32>
      %add3A_99 = arith.addf %scan3A_63, %select_n3A : vector<16xf32>
      %mul3A_100 = arith.mulf %sub3A, %sub3A : vector<16xf32>
      %mul3A_101 = arith.mulf %select_n3A, %mul3A_100 : vector<16xf32>
      %add3A_102 = arith.addf %scan3A_71, %mul3A_101 : vector<16xf32>
      %add3A_103 = arith.constant 16 : i32
      %add3A_104 = arith.addi %mul3A_84, %add3A_103 : i32
      %get3A_105 = arith.index_cast %add3A_104 : i32 to index
      %get3A_106 = tpu.vector_load %arg6[%get3A_105] {strides = array<i32>} : memref<8192xf32, #tpu.memory_space<vmem>>, vector<16xf32>,
      %get3A_107 = vector.shape_cast %get3A_106 : vector<16xf32> to vector<16xf32>
      %add3A_108 = arith.constant 16 : i32
      %add3A_109 = arith.addi %mul3A_84, %add3A_108 : i32
      %get3A_110 = arith.index_cast %add3A_109 : i32 to index
      %get3A_111 = tpu.vector_load %arg8[%get3A_110] {strides = array<i32>} : memref<8192xf32, #tpu.memory_space<vmem>>, vector<16xf32>,
      %get3A_112 = vector.shape_cast %get3A_111 : vector<16xf32> to vector<16xf32>
      %sub3A_113 = arith.subf %get3A_112, %get3A_107 : vector<16xf32>
      %le3A_114 = arith.constant 5.500000e-01 : f32
      %le3A_115 = vector.broadcast %le3A_114 : f32 to vector<16xf32>
      %le3A_116 = arith.cmpf ole, %get3A_112, %le3A_115 : vector<16xf32>
      %jit3A_117 = arith.constant 0.666666686 : f32
      %jit3A_118 = arith.constant 1.000000e+00 : f32
      %broadcast_in_dim3A_119 = vector.broadcast %jit3A_117 : f32 to vector<16xf32>
      %broadcast_in_dim3A_120 = vector.broadcast %jit3A_118 : f32 to vector<16xf32>
      %select_n3A_121 = arith.select %le3A_116, %broadcast_in_dim3A_119, %broadcast_in_dim3A_120 : vector<16xi1>, vector<16xf32>
      %add3A_122 = arith.addf %scan3A_64, %select_n3A_121 : vector<16xf32>
      %mul3A_123 = arith.mulf %sub3A_113, %sub3A_113 : vector<16xf32>
      %mul3A_124 = arith.mulf %select_n3A_121, %mul3A_123 : vector<16xf32>
      %add3A_125 = arith.addf %scan3A_72, %mul3A_124 : vector<16xf32>
      %add3A_126 = arith.constant 32 : i32
      %add3A_127 = arith.addi %mul3A_84, %add3A_126 : i32
      %get3A_128 = arith.index_cast %add3A_127 : i32 to index
      %get3A_129 = tpu.vector_load %arg6[%get3A_128] {strides = array<i32>} : memref<8192xf32, #tpu.memory_space<vmem>>, vector<16xf32>,
      %get3A_130 = vector.shape_cast %get3A_129 : vector<16xf32> to vector<16xf32>
      %add3A_131 = arith.constant 32 : i32
      %add3A_132 = arith.addi %mul3A_84, %add3A_131 : i32
      %get3A_133 = arith.index_cast %add3A_132 : i32 to index
      %get3A_134 = tpu.vector_load %arg8[%get3A_133] {strides = array<i32>} : memref<8192xf32, #tpu.memory_space<vmem>>, vector<16xf32>,
      %get3A_135 = vector.shape_cast %get3A_134 : vector<16xf32> to vector<16xf32>
      %sub3A_136 = arith.subf %get3A_135, %get3A_130 : vector<16xf32>
      %le3A_137 = arith.constant 5.500000e-01 : f32
      %le3A_138 = vector.broadcast %le3A_137 : f32 to vector<16xf32>
      %le3A_139 = arith.cmpf ole, %get3A_135, %le3A_138 : vector<16xf32>
      %jit3A_140 = arith.constant 0.666666686 : f32
      %jit3A_141 = arith.constant 1.000000e+00 : f32
      %broadcast_in_dim3A_142 = vector.broadcast %jit3A_140 : f32 to vector<16xf32>
      %broadcast_in_dim3A_143 = vector.broadcast %jit3A_141 : f32 to vector<16xf32>
      %select_n3A_144 = arith.select %le3A_139, %broadcast_in_dim3A_142, %broadcast_in_dim3A_143 : vector<16xi1>, vector<16xf32>
      %add3A_145 = arith.addf %scan3A_65, %select_n3A_144 : vector<16xf32>
      %mul3A_146 = arith.mulf %sub3A_136, %sub3A_136 : vector<16xf32>
      %mul3A_147 = arith.mulf %select_n3A_144, %mul3A_146 : vector<16xf32>
      %add3A_148 = arith.addf %scan3A_73, %mul3A_147 : vector<16xf32>
      %add3A_149 = arith.constant 48 : i32
      %add3A_150 = arith.addi %mul3A_84, %add3A_149 : i32
      %get3A_151 = arith.index_cast %add3A_150 : i32 to index
      %get3A_152 = tpu.vector_load %arg6[%get3A_151] {strides = array<i32>} : memref<8192xf32, #tpu.memory_space<vmem>>, vector<16xf32>,
      %get3A_153 = vector.shape_cast %get3A_152 : vector<16xf32> to vector<16xf32>
      %add3A_154 = arith.constant 48 : i32
      %add3A_155 = arith.addi %mul3A_84, %add3A_154 : i32
      %get3A_156 = arith.index_cast %add3A_155 : i32 to index
      %get3A_157 = tpu.vector_load %arg8[%get3A_156] {strides = array<i32>} : memref<8192xf32, #tpu.memory_space<vmem>>, vector<16xf32>,
      %get3A_158 = vector.shape_cast %get3A_157 : vector<16xf32> to vector<16xf32>
      %sub3A_159 = arith.subf %get3A_158, %get3A_153 : vector<16xf32>
      %le3A_160 = arith.constant 5.500000e-01 : f32
      %le3A_161 = vector.broadcast %le3A_160 : f32 to vector<16xf32>
      %le3A_162 = arith.cmpf ole, %get3A_158, %le3A_161 : vector<16xf32>
      %jit3A_163 = arith.constant 0.666666686 : f32
      %jit3A_164 = arith.constant 1.000000e+00 : f32
      %broadcast_in_dim3A_165 = vector.broadcast %jit3A_163 : f32 to vector<16xf32>
      %broadcast_in_dim3A_166 = vector.broadcast %jit3A_164 : f32 to vector<16xf32>
      %select_n3A_167 = arith.select %le3A_162, %broadcast_in_dim3A_165, %broadcast_in_dim3A_166 : vector<16xi1>, vector<16xf32>
      %add3A_168 = arith.addf %scan3A_66, %select_n3A_167 : vector<16xf32>
      %mul3A_169 = arith.mulf %sub3A_159, %sub3A_159 : vector<16xf32>
      %mul3A_170 = arith.mulf %select_n3A_167, %mul3A_169 : vector<16xf32>
      %add3A_171 = arith.addf %scan3A_74, %mul3A_170 : vector<16xf32>
      %add3A_172 = arith.constant 64 : i32
      %add3A_173 = arith.addi %mul3A_84, %add3A_172 : i32
      %get3A_174 = arith.index_cast %add3A_173 : i32 to index
      %get3A_175 = tpu.vector_load %arg6[%get3A_174] {strides = array<i32>} : memref<8192xf32, #tpu.memory_space<vmem>>, vector<16xf32>,
      %get3A_176 = vector.shape_cast %get3A_175 : vector<16xf32> to vector<16xf32>
      %add3A_177 = arith.constant 64 : i32
      %add3A_178 = arith.addi %mul3A_84, %add3A_177 : i32
      %get3A_179 = arith.index_cast %add3A_178 : i32 to index
      %get3A_180 = tpu.vector_load %arg8[%get3A_179] {strides = array<i32>} : memref<8192xf32, #tpu.memory_space<vmem>>, vector<16xf32>,
      %get3A_181 = vector.shape_cast %get3A_180 : vector<16xf32> to vector<16xf32>
      %sub3A_182 = arith.subf %get3A_181, %get3A_176 : vector<16xf32>
      %le3A_183 = arith.constant 5.500000e-01 : f32
      %le3A_184 = vector.broadcast %le3A_183 : f32 to vector<16xf32>
      %le3A_185 = arith.cmpf ole, %get3A_181, %le3A_184 : vector<16xf32>
      %jit3A_186 = arith.constant 0.666666686 : f32
      %jit3A_187 = arith.constant 1.000000e+00 : f32
      %broadcast_in_dim3A_188 = vector.broadcast %jit3A_186 : f32 to vector<16xf32>
      %broadcast_in_dim3A_189 = vector.broadcast %jit3A_187 : f32 to vector<16xf32>
      %select_n3A_190 = arith.select %le3A_185, %broadcast_in_dim3A_188, %broadcast_in_dim3A_189 : vector<16xi1>, vector<16xf32>
      %add3A_191 = arith.addf %scan3A_67, %select_n3A_190 : vector<16xf32>
      %mul3A_192 = arith.mulf %sub3A_182, %sub3A_182 : vector<16xf32>
      %mul3A_193 = arith.mulf %select_n3A_190, %mul3A_192 : vector<16xf32>
      %add3A_194 = arith.addf %scan3A_75, %mul3A_193 : vector<16xf32>
      %add3A_195 = arith.constant 80 : i32
      %add3A_196 = arith.addi %mul3A_84, %add3A_195 : i32
      %get3A_197 = arith.index_cast %add3A_196 : i32 to index
      %get3A_198 = tpu.vector_load %arg6[%get3A_197] {strides = array<i32>} : memref<8192xf32, #tpu.memory_space<vmem>>, vector<16xf32>,
      %get3A_199 = vector.shape_cast %get3A_198 : vector<16xf32> to vector<16xf32>
      %add3A_200 = arith.constant 80 : i32
      %add3A_201 = arith.addi %mul3A_84, %add3A_200 : i32
      %get3A_202 = arith.index_cast %add3A_201 : i32 to index
      %get3A_203 = tpu.vector_load %arg8[%get3A_202] {strides = array<i32>} : memref<8192xf32, #tpu.memory_space<vmem>>, vector<16xf32>,
      %get3A_204 = vector.shape_cast %get3A_203 : vector<16xf32> to vector<16xf32>
      %sub3A_205 = arith.subf %get3A_204, %get3A_199 : vector<16xf32>
      %le3A_206 = arith.constant 5.500000e-01 : f32
      %le3A_207 = vector.broadcast %le3A_206 : f32 to vector<16xf32>
      %le3A_208 = arith.cmpf ole, %get3A_204, %le3A_207 : vector<16xf32>
      %jit3A_209 = arith.constant 0.666666686 : f32
      %jit3A_210 = arith.constant 1.000000e+00 : f32
      %broadcast_in_dim3A_211 = vector.broadcast %jit3A_209 : f32 to vector<16xf32>
      %broadcast_in_dim3A_212 = vector.broadcast %jit3A_210 : f32 to vector<16xf32>
      %select_n3A_213 = arith.select %le3A_208, %broadcast_in_dim3A_211, %broadcast_in_dim3A_212 : vector<16xi1>, vector<16xf32>
      %add3A_214 = arith.addf %scan3A_68, %select_n3A_213 : vector<16xf32>
      %mul3A_215 = arith.mulf %sub3A_205, %sub3A_205 : vector<16xf32>
      %mul3A_216 = arith.mulf %select_n3A_213, %mul3A_215 : vector<16xf32>
      %add3A_217 = arith.addf %scan3A_76, %mul3A_216 : vector<16xf32>
      %add3A_218 = arith.constant 96 : i32
      %add3A_219 = arith.addi %mul3A_84, %add3A_218 : i32
      %get3A_220 = arith.index_cast %add3A_219 : i32 to index
      %get3A_221 = tpu.vector_load %arg6[%get3A_220] {strides = array<i32>} : memref<8192xf32, #tpu.memory_space<vmem>>, vector<16xf32>,
      %get3A_222 = vector.shape_cast %get3A_221 : vector<16xf32> to vector<16xf32>
      %add3A_223 = arith.constant 96 : i32
      %add3A_224 = arith.addi %mul3A_84, %add3A_223 : i32
      %get3A_225 = arith.index_cast %add3A_224 : i32 to index
      %get3A_226 = tpu.vector_load %arg8[%get3A_225] {strides = array<i32>} : memref<8192xf32, #tpu.memory_space<vmem>>, vector<16xf32>,
      %get3A_227 = vector.shape_cast %get3A_226 : vector<16xf32> to vector<16xf32>
      %sub3A_228 = arith.subf %get3A_227, %get3A_222 : vector<16xf32>
      %le3A_229 = arith.constant 5.500000e-01 : f32
      %le3A_230 = vector.broadcast %le3A_229 : f32 to vector<16xf32>
      %le3A_231 = arith.cmpf ole, %get3A_227, %le3A_230 : vector<16xf32>
      %jit3A_232 = arith.constant 0.666666686 : f32
      %jit3A_233 = arith.constant 1.000000e+00 : f32
      %broadcast_in_dim3A_234 = vector.broadcast %jit3A_232 : f32 to vector<16xf32>
      %broadcast_in_dim3A_235 = vector.broadcast %jit3A_233 : f32 to vector<16xf32>
      %select_n3A_236 = arith.select %le3A_231, %broadcast_in_dim3A_234, %broadcast_in_dim3A_235 : vector<16xi1>, vector<16xf32>
      %add3A_237 = arith.addf %scan3A_69, %select_n3A_236 : vector<16xf32>
      %mul3A_238 = arith.mulf %sub3A_228, %sub3A_228 : vector<16xf32>
      %mul3A_239 = arith.mulf %select_n3A_236, %mul3A_238 : vector<16xf32>
      %add3A_240 = arith.addf %scan3A_77, %mul3A_239 : vector<16xf32>
      %add3A_241 = arith.constant 112 : i32
      %add3A_242 = arith.addi %mul3A_84, %add3A_241 : i32
      %get3A_243 = arith.index_cast %add3A_242 : i32 to index
      %get3A_244 = tpu.vector_load %arg6[%get3A_243] {strides = array<i32>} : memref<8192xf32, #tpu.memory_space<vmem>>, vector<16xf32>,
      %get3A_245 = vector.shape_cast %get3A_244 : vector<16xf32> to vector<16xf32>
      %add3A_246 = arith.constant 112 : i32
      %add3A_247 = arith.addi %mul3A_84, %add3A_246 : i32
      %get3A_248 = arith.index_cast %add3A_247 : i32 to index
      %get3A_249 = tpu.vector_load %arg8[%get3A_248] {strides = array<i32>} : memref<8192xf32, #tpu.memory_space<vmem>>, vector<16xf32>,
      %get3A_250 = vector.shape_cast %get3A_249 : vector<16xf32> to vector<16xf32>
      %sub3A_251 = arith.subf %get3A_250, %get3A_245 : vector<16xf32>
      %le3A_252 = arith.constant 5.500000e-01 : f32
      %le3A_253 = vector.broadcast %le3A_252 : f32 to vector<16xf32>
      %le3A_254 = arith.cmpf ole, %get3A_250, %le3A_253 : vector<16xf32>
      %jit3A_255 = arith.constant 0.666666686 : f32
      %jit3A_256 = arith.constant 1.000000e+00 : f32
      %broadcast_in_dim3A_257 = vector.broadcast %jit3A_255 : f32 to vector<16xf32>
      %broadcast_in_dim3A_258 = vector.broadcast %jit3A_256 : f32 to vector<16xf32>
      %select_n3A_259 = arith.select %le3A_254, %broadcast_in_dim3A_257, %broadcast_in_dim3A_258 : vector<16xi1>, vector<16xf32>
      %add3A_260 = arith.addf %scan3A_70, %select_n3A_259 : vector<16xf32>
      %mul3A_261 = arith.mulf %sub3A_251, %sub3A_251 : vector<16xf32>
      %mul3A_262 = arith.mulf %select_n3A_259, %mul3A_261 : vector<16xf32>
      %add3A_263 = arith.addf %scan3A_78, %mul3A_262 : vector<16xf32>
      scf.yield %add3A_99, %add3A_122, %add3A_145, %add3A_168, %add3A_191, %add3A_214, %add3A_237, %add3A_260, %add3A_102, %add3A_125, %add3A_148, %add3A_171, %add3A_194, %add3A_217, %add3A_240, %add3A_263 : vector<16xf32>, vector<16xf32>, vector<16xf32>, vector<16xf32>, vector<16xf32>, vector<16xf32>, vector<16xf32>, vector<16xf32>, vector<16xf32>, vector<16xf32>, vector<16xf32>, vector<16xf32>, vector<16xf32>, vector<16xf32>, vector<16xf32>, vector<16xf32>
    }
    %scan3A_36 = arith.constant 64 : i32
    %add3A_37 = arith.addf %scan3A_35#0, %scan3A_35#1 : vector<16xf32>
    %add3A_38 = arith.addf %scan3A_35#2, %scan3A_35#3 : vector<16xf32>
    %add3A_39 = arith.addf %scan3A_35#4, %scan3A_35#5 : vector<16xf32>
    %add3A_40 = arith.addf %scan3A_35#6, %scan3A_35#7 : vector<16xf32>
    %add3A_41 = arith.addf %add3A_37, %add3A_38 : vector<16xf32>
    %add3A_42 = arith.addf %add3A_39, %add3A_40 : vector<16xf32>
    %add3A_43 = arith.addf %add3A_41, %add3A_42 : vector<16xf32>
    %swap3A = arith.constant 0 : i32
    %swap3A_44 = arith.index_cast %swap3A : i32 to index
    %swap3A_45 = arith.constant 0 : index
    %swap3A_46 = tpu.vector_load %arg9[%swap3A_44, %swap3A_45] {strides = array<i32>} : memref<2x16xf32, #tpu.memory_space<vmem>>, vector<1x16xf32>,
    %swap3A_47 = vector.shape_cast %swap3A_46 : vector<1x16xf32> to vector<16xf32>
    %swap3A_48 = vector.shape_cast %add3A_43 : vector<16xf32> to vector<1x16xf32>
    tpu.vector_store %arg9[%swap3A_44, %swap3A_45], %swap3A_48 {strides = array<i32>} : memref<2x16xf32, #tpu.memory_space<vmem>>, vector<1x16xf32>,
    %add3A_49 = arith.addf %scan3A_35#8, %scan3A_35#9 : vector<16xf32>
    %add3A_50 = arith.addf %scan3A_35#10, %scan3A_35#11 : vector<16xf32>
    %add3A_51 = arith.addf %scan3A_35#12, %scan3A_35#13 : vector<16xf32>
    %add3A_52 = arith.addf %scan3A_35#14, %scan3A_35#15 : vector<16xf32>
    %add3A_53 = arith.addf %add3A_49, %add3A_50 : vector<16xf32>
    %add3A_54 = arith.addf %add3A_51, %add3A_52 : vector<16xf32>
    %add3A_55 = arith.addf %add3A_53, %add3A_54 : vector<16xf32>
    %swap3A_56 = arith.constant 1 : i32
    %swap3A_57 = arith.index_cast %swap3A_56 : i32 to index
    %swap3A_58 = arith.constant 0 : index
    %swap3A_59 = tpu.vector_load %arg9[%swap3A_57, %swap3A_58] {strides = array<i32>} : memref<2x16xf32, #tpu.memory_space<vmem>>, vector<1x16xf32>,
    %swap3A_60 = vector.shape_cast %swap3A_59 : vector<1x16xf32> to vector<16xf32>
    %swap3A_61 = vector.shape_cast %add3A_55 : vector<16xf32> to vector<1x16xf32>
    tpu.vector_store %arg9[%swap3A_57, %swap3A_58], %swap3A_61 {strides = array<i32>} : memref<2x16xf32, #tpu.memory_space<vmem>>, vector<1x16xf32>,
    "tpu.region"() ({
      %run_scoped3A = tpu.sem_alloc : memref<!tpu.dma_semaphore, #tpu.memory_space<semaphore_mem>>
      %dma_start3A_62 = arith.constant 0 : i32
      %dma_start3A_63 = arith.constant 0 : i32
      %dma_start3A_64 = tpu.memref_slice %arg4[%add3A, %dma_start3A_62, %dma_start3A_63] : memref<32x2x16xf32, #tpu.memory_space<hbm>> -> memref<1x2x16xf32, #tpu.memory_space<hbm>>
      %dma_start3A_65 = tpu.memref_squeeze %dma_start3A_64 : memref<1x2x16xf32, #tpu.memory_space<hbm>> -> memref<2x16xf32, #tpu.memory_space<hbm>>
      %dma_start3A_66 = arith.constant 0 : i32
      %dma_start3A_67 = arith.constant 0 : i32
      %dma_start3A_68 = tpu.memref_slice %arg4[%add3A, %dma_start3A_66, %dma_start3A_67] : memref<32x2x16xf32, #tpu.memory_space<hbm>> -> memref<1x2x16xf32, #tpu.memory_space<hbm>>
      %dma_start3A_69 = tpu.memref_squeeze %dma_start3A_68 : memref<1x2x16xf32, #tpu.memory_space<hbm>> -> memref<2x16xf32, #tpu.memory_space<hbm>>
      tpu.enqueue_dma source(%arg9 : memref<2x16xf32, #tpu.memory_space<vmem>>) target(%dma_start3A_69 : memref<2x16xf32, #tpu.memory_space<hbm>>) target_semaphore(%run_scoped3A : memref<!tpu.dma_semaphore, #tpu.memory_space<semaphore_mem>>)
      %dma_wait3A_70 = arith.constant 0 : i32
      %dma_wait3A_71 = arith.constant 0 : i32
      %dma_wait3A_72 = tpu.memref_slice %arg4[%add3A, %dma_wait3A_70, %dma_wait3A_71] : memref<32x2x16xf32, #tpu.memory_space<hbm>> -> memref<1x2x16xf32, #tpu.memory_space<hbm>>
      %dma_wait3A_73 = tpu.memref_squeeze %dma_wait3A_72 : memref<1x2x16xf32, #tpu.memory_space<hbm>> -> memref<2x16xf32, #tpu.memory_space<hbm>>
      %dma_wait3A_74 = arith.constant 0 : i32
      %dma_wait3A_75 = arith.constant 0 : i32
      %dma_wait3A_76 = tpu.memref_slice %arg4[%add3A, %dma_wait3A_74, %dma_wait3A_75] : memref<32x2x16xf32, #tpu.memory_space<hbm>> -> memref<1x2x16xf32, #tpu.memory_space<hbm>>
      %dma_wait3A_77 = tpu.memref_squeeze %dma_wait3A_76 : memref<1x2x16xf32, #tpu.memory_space<hbm>> -> memref<2x16xf32, #tpu.memory_space<hbm>>
      tpu.wait_dma2 semaphore(%run_scoped3A : memref<!tpu.dma_semaphore, #tpu.memory_space<semaphore_mem>>) src(%arg9 : memref<2x16xf32, #tpu.memory_space<vmem>>) dst(%dma_wait3A_77 : memref<2x16xf32, #tpu.memory_space<hbm>>)
      tpu.yield
    }) : () -> ()
    return
  }
}

module attributes {stable_mosaic.version = 14 : i64} {
  func.func @_tc_body(%arg0: i32, %arg1: memref<8192x128xf32, #tpu.memory_space<vmem>>, %arg2: memref<8192x128xf32, #tpu.memory_space<vmem>>, %arg3: memref<2x8x128xf32, #tpu.memory_space<vmem>>, %arg4: memref<2x8x128xf32, #tpu.memory_space<vmem>>) attributes {dimension_semantics = [#tpu.dimension_semantics<arbitrary>], iteration_bounds = array<i64: 6>, scalar_prefetch = 0 : i64, scratch_operands = 1 : i64, tpu.core_type = #tpu.core_type<tc>, window_params = [{transform_indices = @transform_0, window_bounds = array<i64: 8192, 128>}, {transform_indices = @transform_1, window_bounds = array<i64: 8192, 128>}, {pipeline_mode = #tpu.pipeline_mode<synchronous>, transform_indices = @transform_2, window_bounds = array<i64: 2, 8, 128>}]} {
    %eq3A = arith.constant 0 : i32
    %eq3A_0 = arith.cmpi eq, %arg0, %eq3A : i32
    %convert_element_type3A = arith.extui %eq3A_0 : i1 to i32
    %cond3A = arith.constant 0 : i32
    %cond3A_1 = arith.cmpi ne, %convert_element_type3A, %cond3A : i32
    scf.if %cond3A_1 {
      %broadcast_in_dim3A_43 = arith.constant 0.000000e+00 : f32
      %broadcast_in_dim3A_44 = vector.broadcast %broadcast_in_dim3A_43 : f32 to vector<2x8x128xf32>
      %swap3A_45 = arith.constant 0 : index
      %swap3A_46 = arith.constant 0 : index
      %swap3A_47 = arith.constant 0 : index
      %swap3A_48 = vector.load %arg4[%swap3A_45, %swap3A_46, %swap3A_47] : memref<2x8x128xf32, #tpu.memory_space<vmem>>, vector<2x8x128xf32>
      tpu.vector_store %arg4[%swap3A_45, %swap3A_46, %swap3A_47], %broadcast_in_dim3A_44 {strides = array<i32>} : memref<2x8x128xf32, #tpu.memory_space<vmem>>, vector<2x8x128xf32>,
    } else {
    }
    %get3A = arith.constant 0 : index
    %get3A_2 = arith.constant 0 : index
    %get3A_3 = vector.load %arg1[%get3A, %get3A_2] : memref<8192x128xf32, #tpu.memory_space<vmem>>, vector<8192x128xf32>
    %get3A_4 = arith.constant 0 : index
    %get3A_5 = arith.constant 0 : index
    %get3A_6 = vector.load %arg2[%get3A_4, %get3A_5] : memref<8192x128xf32, #tpu.memory_space<vmem>>, vector<8192x128xf32>
    %sub3A = arith.subf %get3A_6, %get3A_3 : vector<8192x128xf32>
    %le3A = arith.constant 5.500000e-01 : f32
    %le3A_7 = vector.broadcast %le3A : f32 to vector<8192x128xf32>
    %le3A_8 = arith.cmpf ole, %get3A_6, %le3A_7 : vector<8192x128xf32>
    %jit3A = arith.constant 0.666666686 : f32
    %jit3A_9 = arith.constant 1.000000e+00 : f32
    %broadcast_in_dim3A = vector.broadcast %jit3A : f32 to vector<8192x128xf32>
    %broadcast_in_dim3A_10 = vector.broadcast %jit3A_9 : f32 to vector<8192x128xf32>
    %select_n3A = arith.select %le3A_8, %broadcast_in_dim3A, %broadcast_in_dim3A_10 : vector<8192x128xi1>, vector<8192x128xf32>
    %reshape3A = vector.shape_cast %select_n3A : vector<8192x128xf32> to vector<1024x8x128xf32>
    %reduce_sum3A = arith.constant dense<0.000000e+00> : vector<8x128xf32>
    %reduce_sum3A_11 = vector.multi_reduction <add>, %reshape3A, %reduce_sum3A [0] : vector<1024x8x128xf32> to vector<8x128xf32>
    %mul3A = arith.mulf %sub3A, %sub3A : vector<8192x128xf32>
    %mul3A_12 = arith.mulf %select_n3A, %mul3A : vector<8192x128xf32>
    %reshape3A_13 = vector.shape_cast %mul3A_12 : vector<8192x128xf32> to vector<1024x8x128xf32>
    %reduce_sum3A_14 = arith.constant dense<0.000000e+00> : vector<8x128xf32>
    %reduce_sum3A_15 = vector.multi_reduction <add>, %reshape3A_13, %reduce_sum3A_14 [0] : vector<1024x8x128xf32> to vector<8x128xf32>
    %get3A_16 = arith.constant 0 : index
    %get3A_17 = arith.constant 0 : index
    %get3A_18 = arith.constant 0 : index
    %get3A_19 = vector.load %arg4[%get3A_16, %get3A_17, %get3A_18] : memref<2x8x128xf32, #tpu.memory_space<vmem>>, vector<1x8x128xf32>
    %get3A_20 = vector.shape_cast %get3A_19 : vector<1x8x128xf32> to vector<8x128xf32>
    %add3A = arith.addf %get3A_20, %reduce_sum3A_11 : vector<8x128xf32>
    %swap3A = arith.constant 0 : index
    %swap3A_21 = arith.constant 0 : index
    %swap3A_22 = arith.constant 0 : index
    %swap3A_23 = vector.load %arg4[%swap3A, %swap3A_21, %swap3A_22] : memref<2x8x128xf32, #tpu.memory_space<vmem>>, vector<1x8x128xf32>
    %swap3A_24 = vector.shape_cast %swap3A_23 : vector<1x8x128xf32> to vector<8x128xf32>
    %swap3A_25 = vector.shape_cast %add3A : vector<8x128xf32> to vector<1x8x128xf32>
    tpu.vector_store %arg4[%swap3A, %swap3A_21, %swap3A_22], %swap3A_25 {strides = array<i32>} : memref<2x8x128xf32, #tpu.memory_space<vmem>>, vector<1x8x128xf32>,
    %get3A_26 = arith.constant 1 : index
    %get3A_27 = arith.constant 0 : index
    %get3A_28 = arith.constant 0 : index
    %get3A_29 = vector.load %arg4[%get3A_26, %get3A_27, %get3A_28] : memref<2x8x128xf32, #tpu.memory_space<vmem>>, vector<1x8x128xf32>
    %get3A_30 = vector.shape_cast %get3A_29 : vector<1x8x128xf32> to vector<8x128xf32>
    %add3A_31 = arith.addf %get3A_30, %reduce_sum3A_15 : vector<8x128xf32>
    %swap3A_32 = arith.constant 1 : index
    %swap3A_33 = arith.constant 0 : index
    %swap3A_34 = arith.constant 0 : index
    %swap3A_35 = vector.load %arg4[%swap3A_32, %swap3A_33, %swap3A_34] : memref<2x8x128xf32, #tpu.memory_space<vmem>>, vector<1x8x128xf32>
    %swap3A_36 = vector.shape_cast %swap3A_35 : vector<1x8x128xf32> to vector<8x128xf32>
    %swap3A_37 = vector.shape_cast %add3A_31 : vector<8x128xf32> to vector<1x8x128xf32>
    tpu.vector_store %arg4[%swap3A_32, %swap3A_33, %swap3A_34], %swap3A_37 {strides = array<i32>} : memref<2x8x128xf32, #tpu.memory_space<vmem>>, vector<1x8x128xf32>,
    %eq3A_38 = arith.constant 5 : i32
    %eq3A_39 = arith.cmpi eq, %arg0, %eq3A_38 : i32
    %convert_element_type3A_40 = arith.extui %eq3A_39 : i1 to i32
    %cond3A_41 = arith.constant 0 : i32
    %cond3A_42 = arith.cmpi ne, %convert_element_type3A_40, %cond3A_41 : i32
    scf.if %cond3A_42 {
      %get3A_43 = arith.constant 0 : index
      %get3A_44 = arith.constant 0 : index
      %get3A_45 = arith.constant 0 : index
      %get3A_46 = vector.load %arg4[%get3A_43, %get3A_44, %get3A_45] : memref<2x8x128xf32, #tpu.memory_space<vmem>>, vector<2x8x128xf32>
      %swap3A_47 = arith.constant 0 : index
      %swap3A_48 = arith.constant 0 : index
      %swap3A_49 = arith.constant 0 : index
      %swap3A_50 = vector.load %arg3[%swap3A_47, %swap3A_48, %swap3A_49] : memref<2x8x128xf32, #tpu.memory_space<vmem>>, vector<2x8x128xf32>
      tpu.vector_store %arg3[%swap3A_47, %swap3A_48, %swap3A_49], %get3A_46 {strides = array<i32>} : memref<2x8x128xf32, #tpu.memory_space<vmem>>, vector<2x8x128xf32>,
    } else {
    }
    return
  }
  func.func @transform_0(%arg0: i32) -> (i32, i32) {
    %add3A = arith.constant 2 : i32
    %add3A_0 = arith.addi %add3A, %arg0 : i32
    %c0_i32 = arith.constant 0 : i32
    %c0_i32_1 = arith.constant 0 : i32
    return %add3A_0, %c0_i32 : i32, i32
  }
  func.func @transform_1(%arg0: i32) -> (i32, i32) {
    %add3A = arith.constant 2 : i32
    %add3A_0 = arith.addi %add3A, %arg0 : i32
    %c0_i32 = arith.constant 0 : i32
    %c0_i32_1 = arith.constant 0 : i32
    return %add3A_0, %c0_i32 : i32, i32
  }
  func.func @transform_2(%arg0: i32) -> (i32, i32, i32) {
    %c0_i32 = arith.constant 0 : i32
    %c0_i32_0 = arith.constant 0 : i32
    %c0_i32_1 = arith.constant 0 : i32
    %c0_i32_2 = arith.constant 0 : i32
    return %c0_i32, %c0_i32_0, %c0_i32_1 : i32, i32, i32
  }
}

module attributes {stable_mosaic.version = 14 : i64} {
  func.func @_combine_body(%arg0: memref<32x2x16xf32, #tpu.memory_space<vmem>>, %arg1: memref<2x8x128xf32, #tpu.memory_space<vmem>>, %arg2: memref<1x1xf32, #tpu.memory_space<vmem>>) attributes {dimension_semantics = [], scalar_prefetch = 0 : i64, scratch_operands = 0 : i64, tpu.core_type = #tpu.core_type<tc>} {
    %get3A = arith.constant 0 : index
    %get3A_0 = arith.constant 0 : index
    %get3A_1 = arith.constant 0 : index
    %get3A_2 = vector.load %arg0[%get3A, %get3A_0, %get3A_1] : memref<32x2x16xf32, #tpu.memory_space<vmem>>, vector<32x1x16xf32>
    %get3A_3 = vector.shape_cast %get3A_2 : vector<32x1x16xf32> to vector<32x16xf32>
    %reduce_sum3A = vector.shape_cast %get3A_3 : vector<32x16xf32> to vector<1x32x16xf32>
    %reduce_sum3A_4 = arith.constant dense<0.000000e+00> : vector<1xf32>
    %reduce_sum3A_5 = vector.multi_reduction <add>, %reduce_sum3A, %reduce_sum3A_4 [1, 2] : vector<1x32x16xf32> to vector<1xf32>
    %reduce_sum3A_6 = vector.shape_cast %reduce_sum3A_5 : vector<1xf32> to vector<1x1x1xf32>
    %reduce_sum3A_7 = vector.extract %reduce_sum3A_6[0, 0, 0] : f32 from vector<1x1x1xf32>
    %get3A_8 = arith.constant 0 : index
    %get3A_9 = arith.constant 0 : index
    %get3A_10 = arith.constant 0 : index
    %get3A_11 = vector.load %arg1[%get3A_8, %get3A_9, %get3A_10] : memref<2x8x128xf32, #tpu.memory_space<vmem>>, vector<1x8x128xf32>
    %get3A_12 = vector.shape_cast %get3A_11 : vector<1x8x128xf32> to vector<8x128xf32>
    %reduce_sum3A_13 = vector.shape_cast %get3A_12 : vector<8x128xf32> to vector<1x8x128xf32>
    %reduce_sum3A_14 = arith.constant dense<0.000000e+00> : vector<1xf32>
    %reduce_sum3A_15 = vector.multi_reduction <add>, %reduce_sum3A_13, %reduce_sum3A_14 [1, 2] : vector<1x8x128xf32> to vector<1xf32>
    %reduce_sum3A_16 = vector.shape_cast %reduce_sum3A_15 : vector<1xf32> to vector<1x1x1xf32>
    %reduce_sum3A_17 = vector.extract %reduce_sum3A_16[0, 0, 0] : f32 from vector<1x1x1xf32>
    %add3A = arith.addf %reduce_sum3A_7, %reduce_sum3A_17 : f32
    %get3A_18 = arith.constant 0 : index
    %get3A_19 = arith.constant 1 : index
    %get3A_20 = arith.constant 0 : index
    %get3A_21 = vector.load %arg0[%get3A_18, %get3A_19, %get3A_20] : memref<32x2x16xf32, #tpu.memory_space<vmem>>, vector<32x1x16xf32>
    %get3A_22 = vector.shape_cast %get3A_21 : vector<32x1x16xf32> to vector<32x16xf32>
    %reduce_sum3A_23 = vector.shape_cast %get3A_22 : vector<32x16xf32> to vector<1x32x16xf32>
    %reduce_sum3A_24 = arith.constant dense<0.000000e+00> : vector<1xf32>
    %reduce_sum3A_25 = vector.multi_reduction <add>, %reduce_sum3A_23, %reduce_sum3A_24 [1, 2] : vector<1x32x16xf32> to vector<1xf32>
    %reduce_sum3A_26 = vector.shape_cast %reduce_sum3A_25 : vector<1xf32> to vector<1x1x1xf32>
    %reduce_sum3A_27 = vector.extract %reduce_sum3A_26[0, 0, 0] : f32 from vector<1x1x1xf32>
    %get3A_28 = arith.constant 1 : index
    %get3A_29 = arith.constant 0 : index
    %get3A_30 = arith.constant 0 : index
    %get3A_31 = vector.load %arg1[%get3A_28, %get3A_29, %get3A_30] : memref<2x8x128xf32, #tpu.memory_space<vmem>>, vector<1x8x128xf32>
    %get3A_32 = vector.shape_cast %get3A_31 : vector<1x8x128xf32> to vector<8x128xf32>
    %reduce_sum3A_33 = vector.shape_cast %get3A_32 : vector<8x128xf32> to vector<1x8x128xf32>
    %reduce_sum3A_34 = arith.constant dense<0.000000e+00> : vector<1xf32>
    %reduce_sum3A_35 = vector.multi_reduction <add>, %reduce_sum3A_33, %reduce_sum3A_34 [1, 2] : vector<1x8x128xf32> to vector<1xf32>
    %reduce_sum3A_36 = vector.shape_cast %reduce_sum3A_35 : vector<1xf32> to vector<1x1x1xf32>
    %reduce_sum3A_37 = vector.extract %reduce_sum3A_36[0, 0, 0] : f32 from vector<1x1x1xf32>
    %add3A_38 = arith.addf %reduce_sum3A_27, %reduce_sum3A_37 : f32
    %div3A = arith.divf %add3A_38, %add3A : f32
    %broadcast_in_dim3A = vector.broadcast %div3A : f32 to vector<1x1xf32>
    %swap3A = arith.constant 0 : index
    %swap3A_39 = arith.constant 0 : index
    %swap3A_40 = vector.load %arg2[%swap3A, %swap3A_39] : memref<1x1xf32, #tpu.memory_space<vmem>>, vector<1x1xf32>
    tpu.vector_store %arg2[%swap3A, %swap3A_39], %broadcast_in_dim3A {strides = array<i32>} : memref<1x1xf32, #tpu.memory_space<vmem>>, vector<1x1xf32>,
    return
  }
}

</mosaic_0001>

<sc_bundles>
// kernel: kernel.5.cloned.1.call-start
scs
__scs_entry_jumppad:
0x0: {  	(pc) =	sbr.rel $0x88, $3  }
0x1: {  	(tag) =	ssettag $0x0;
	lr =	simm.s32 $0x1  }
0x2: {  	[smem:$0x3F9F] =	sst lr;
	_ =	strace $0xD0000000  }
0x3: {  	_ = 	snop  }
0x4: {  	_ = 	snop  }
0x5: {  	_ = 	snop  }
0x6: {  	_ = 	snop  }
0x7: {  	_ = 	snop  }
__scs_overlays_trampoline_lowered:
0x8: {  	[smem:$0x3FAE] =	sst s0  }
0x9: {  	[smem:$0x3FAF] =	sst s1  }
0xa: {  	[smem:$0x3FB0] =	sst s2  }
0xb: {  	[smem:$0x3FB1] =	sst s3  }
0xc: {  	[smem:$0x3FB2] =	sst s4  }
0xd: {  	[smem:$0x3FB3] =	sst s5  }
0xe: {  	[smem:$0x3FB4] =	sst s6  }
0xf: {  	[smem:$0x3FB5] =	sst s7  }
0x10: {  	[smem:$0x3FB6] =	sst s8  }
0x11: {  	[smem:$0x3FB7] =	sst s9;
	s0 =	simm.s32 @!p0 $0x0  }
0x12: {  	s1 =	sld [smem:$0x3F9D];
	s0 =	simm.s32 @p0 $0x1  }
0x13: {  	[smem:$0x3FB8] =	sst s0;
	s0 =	simm.s32 @!p1 $0x0  }
0x14: {  	s2 =	sld [smem:$0x3F9C];
	s0 =	simm.s32 @p1 $0x1  }
0x15: {  	[smem:$0x3FB9] =	sst s0;
	s0 =	simm.s32 @!p2 $0x0  }
0x16: {  	s3 =	sld [smem:$0x3FDB];
	s0 =	simm.s32 @p2 $0x1  }
0x17: {  	s4 =	simm.s32 $0x1BF5;
	[smem:$0x3FBB] =	sst s0  }
0x18: {  	s0 =	sld [smem:$0x3F9E];
	_ =	swait.ge [sflag:s4], $0x0  }
0x19: {  	s7 =	sld [smem:$0x3F9F]  }
0x1a: {  	s8 =	sadd.s32 $0xFFFFE003, lr  }
0x1b: {  	s9 =	sadd.s32 $0xFFFFFEF7, lr;
	s5 =	simm.s32 $0xFFFFFFFF;
	p2 =	slt.u32 s8, $0xFFFFF086  }
0x1c: {  	p1 =	slt.u32 s9, $0xF7A;
	s5 =	simm.s32 @!p2 $0x0  }
0x1d: {  	s5 =	simm.s32 @p1 $0x1;
	p0 =	seq.s32 s7, s2  }
0x1e: {  	s7 =	smul.u32 @!p0 $0xF7A, s2;
	p2 =	seq.s32 @!p0 s5, $0x0  }
0x1f: {  	s9 =	smul.u32 $0xF7A, s1;
	s8 =	simm.s32 @!p0 $0x1BF5;
	p2 =	por !p2, p0  }
0x20: {  	[sflag:s8] =	ssyncset.s32 @!p0 $0xFFFFF086;
	s6 =	sadd.s32 @!p0 s3, s7;
	s7 =	simm.s32 @!p0 $0x108  }
0x21: {  	s3 =	sadd.s32 s3, s9;
	s6 =	sadd.s32 @!p0 $0x88, s6;
	s7 =	simm.s32 @p2 $0x1082  }
0x22: {  	[simem:s7], [sflag:s8] =	dma.local @!p0 [hbm:s6], $0xF7A  }
0x23: {  	s9 =	sor.u32 $0xD0000000, s2;
	s6 =	simm.s32 $0x108;
	_ =	swait.ge @!p0 [sflag:s8], $0x0  }
0x24: {  	s3 =	sadd.s32 $0x88, s3;
	s6 =	simm.s32 @!p1 $0x1082;
	[sflag:s4] =	ssyncset.s32 $0xFFFFF086  }
0x25: {  	[simem:s6], [sflag:s4] =	dma.local [hbm:s3], $0xF7A  }
0x26: {  	[smem:$0x3F9F] =	sst s1;
	(tag) =	ssettag s2;
	_ =	strace s9  }
0x27: {  	s1 =	sld [smem:$0x3FAF]  }
0x28: {  	s2 =	sld [smem:$0x3FB0]  }
0x29: {  	s4 =	sld [smem:$0x3FB2]  }
0x2a: {  	p0 =	seq.s32 s5, $0x0;
	s5 =	sld [smem:$0x3FB3]  }
0x2b: {  	s6 =	sld [smem:$0x3FB4]  }
0x2c: {  	s7 =	sld [smem:$0x3FB5]  }
0x2d: {  	s3 =	simm.s32 $0x108;
	s8 =	sld [smem:$0x3FB6]  }
0x2e: {  	s3 =	simm.s32 @!p0 $0x1082;
	s9 =	sld [smem:$0x3FB7]  }
0x2f: {  	lr =	sadd.s32 s0, s3;
	s0 =	sld [smem:$0x3FAE]  }
0x30: {  	s3 =	sld [smem:$0x3FB1]  }
0x31: {  	[smem:$0x3FBA] =	sst s10  }
0x32: {  	s10 =	sld [smem:$0x3FB8];
	_ =	sdelay $0x3  }
0x33: {  	p0 =	seq.s32 s10, $0x1;
	s10 =	sld [smem:$0x3FBA];
	_ =	sdelay $0x3  }
0x34: {  	[smem:$0x3FBA] =	sst s10  }
0x35: {  	s10 =	sld [smem:$0x3FB9];
	_ =	sdelay $0x3  }
0x36: {  	p1 =	seq.s32 s10, $0x1;
	s10 =	sld [smem:$0x3FBA];
	_ =	sdelay $0x3  }
0x37: {  	[smem:$0x3FBA] =	sst s10  }
0x38: {  	s10 =	sld [smem:$0x3FBB]  }
0x39: {  	_ = 	snop;
	(pc) =	sbr.ind lr, $3  }
0x3a: {  	_ = 	snop  }
0x3b: {  	_ = 	snop  }
0x3c: {  	p2 =	seq.s32 s10, $0x1;
	s10 =	sld [smem:$0x3FBA]  }
0x3d: {  	_ =	shalt  }
0x3e: {  	_ =	shalt  }
0x3f: {  	_ =	shalt  }
0x40: {  	_ =	shalt  }
0x41: {  	_ =	shalt  }
0x42: {  	_ =	shalt  }
0x43: {  	_ =	shalt  }
0x44: {  	_ =	shalt  }
0x45: {  	_ =	shalt  }
0x46: {  	_ =	shalt  }
0x47: {  	_ =	shalt  }
0x48: {  	_ =	shalt  }
0x49: {  	_ =	shalt  }
0x4a: {  	_ =	shalt  }
0x4b: {  	_ =	shalt  }
0x4c: {  	_ =	shalt  }
0x4d: {  	_ =	shalt  }
0x4e: {  	_ =	shalt  }
0x4f: {  	_ =	shalt  }
0x50: {  	_ =	shalt  }
0x51: {  	_ =	shalt  }
0x52: {  	_ =	shalt  }
0x53: {  	_ =	shalt  }
0x54: {  	_ =	shalt  }
0x55: {  	_ =	shalt  }
0x56: {  	_ =	shalt  }
0x57: {  	_ =	shalt  }
0x58: {  	_ =	shalt  }
0x59: {  	_ =	shalt  }
0x5a: {  	_ =	shalt  }
0x5b: {  	_ =	shalt  }
0x5c: {  	_ =	shalt  }
0x5d: {  	_ =	shalt  }
0x5e: {  	_ =	shalt  }
0x5f: {  	_ =	shalt  }
0x60: {  	_ =	shalt  }
0x61: {  	_ =	shalt  }
0x62: {  	_ =	shalt  }
0x63: {  	_ =	shalt  }
0x64: {  	_ =	shalt  }
0x65: {  	_ =	shalt  }
0x66: {  	_ =	shalt  }
0x67: {  	_ =	shalt  }
0x68: {  	_ =	shalt  }
0x69: {  	_ =	shalt  }
0x6a: {  	_ =	shalt  }
0x6b: {  	_ =	shalt  }
0x6c: {  	_ =	shalt  }
0x6d: {  	_ =	shalt  }
0x6e: {  	_ =	shalt  }
0x6f: {  	_ =	shalt  }
0x70: {  	_ =	shalt  }
0x71: {  	_ =	shalt  }
0x72: {  	_ =	shalt  }
0x73: {  	_ =	shalt  }
0x74: {  	_ =	shalt  }
0x75: {  	_ =	shalt  }
0x76: {  	_ =	shalt  }
0x77: {  	_ =	shalt  }
0x78: {  	_ =	shalt  }
0x79: {  	_ =	shalt  }
0x7a: {  	_ =	shalt  }
0x7b: {  	_ =	shalt  }
0x7c: {  	_ =	shalt  }
0x7d: {  	_ =	shalt  }
0x7e: {  	_ =	shalt  }
0x7f: {  	_ =	shalt  }
0x80: {  	_ =	shalt  }
0x81: {  	_ =	shalt  }
0x82: {  	_ =	shalt  }
0x83: {  	_ =	shalt  }
0x84: {  	_ =	shalt  }
0x85: {  	_ =	shalt  }
0x86: {  	_ =	shalt  }
0x87: {  	_ =	shalt  }
.Lfunc_end0:
.L_simem_size_0:
called_computation_lowered:
.L_overlay_start_0:
0x88: {  	s2 =	sld [smem:$0x3FD9]  }
0x89: {  	s3 =	sld [smem:$0x3FFE];
	_ =	sdelay $0x1  }
0x8a: {  	s1 =	srdreg.scid  }
0x8b: {  	s0 =	sand.u32 $0x1, s1  }
0x8c: {  	s17 =	sshll.u32 s0, $0xA;
	s2 =	sadd.s32 s3, s2  }
0x8d: {  	s2 =	sadd.s32 s2, s17  }
0x8e: {  	[smem:$0x3FC6] =	sst s2  }
0x8f: {  	_ = 	snop  }
0x90: {  	s2 =	sld [smem:$0x3FC9]  }
0x91: {  	s18 =	sld [smem:$0x3FC8];
	(tm) =	ssettm $0x1  }
0x92: {  	s4 =	sld [smem:$0x3FFB];
	_ =	sdelay $0x3  }
0x93: {  	_ =	strace s4  }
0x94: {  	s4 =	sld [smem:$0x3FFC];
	_ =	sdelay $0x3  }
0x95: {  	_ =	strace s4  }
0x96: {  	s4 =	sld [smem:$0x3FFD];
	_ =	sdelay $0x3  }
0x97: {  	_ =	strace s4  }
0x98: {  	_ =	strace $0x8FFFFFFF  }
0x99: {  	s19 =	sld [smem:$0x3FDB];
	_ =	sdelay $0x1  }
0x9a: {  	s5 =	simm.s32 $_scs_section_size  }
0x9b: {  	s6 =	simm.s32 $_size__tile_overlayer_lowered;
	s7 =	simm.s32 $_tile_overlayer_lowered  }
0x9c: {  	s22 =	simm.s32 $0x1BFF;
	s21 =	sshll.u32 s7, $0x1;
	s4 =	sadd.s32 s5, s19  }
0x9d: {  	s8 =	simm.s32 $0x0;
	s20 =	sshll.u32 s6, $0x1;
	s6 =	sadd.s32 s21, s4  }
0x9e: {  	[timem:s8], [sflag:s22] =	dma.local [hbm:s6], s20  }
0x9f: {  	_ =	swait.ge [sflag:s22], s20  }
0xa0: {  	s5 =	ssub.s32 $0x0, s20;
	[sflag:s22] =	ssyncset.done $0x0  }
0xa1: {  	[sflag:s22] =	ssyncadd.s32 s5;
	_ =	sdelay $0x1  }
0xa2: {  	s23 =	simm.s32 $0x1B8B  }
0xa3: {  	_ =	swait.ge [sflag:s23], $0x1  }
0xa4: {  	[sflag:s23] =	ssyncset.done $0x0  }
0xa5: {  	s25 =	simm.s32 $0x1B8E;
	s24 =	sld [smem:$0x3FFE];
	[sflag:s23] =	ssyncadd.s32 $0xFFFFFFFF  }
0xa6: {  	s26 =	simm.s32 $execute0_lowered;
	[smem:$0x3FD2] =	sst s25  }
0xa7: {  	s6 =	sshll.u32 s26, $0x1;
	_ =	strace $0x80000046;
	[dreg:$0x1] =	wrdreg $0xFFFFFFFF  }
0xa8: {  	s28 =	simm.s32 $_size_execute0_lowered;
	s4 =	sadd.s32 s4, s6;
	[dreg:$0x0] =	wrdreg $0x0  }
0xa9: {  	s6 =	sshll.u32 s28, $0x1;
	[dreg:$0x2] =	wrdreg s4  }
0xaa: {  	[dreg:$0x3] =	wrdreg s6  }
0xab: {  	[dreg:$0x4] =	wrdreg $0xC0  }
0xac: {  	_ =	task [dreg:s8], $0x5FFFF  }
0xad: {  	[dreg:$0x1] =	wrdreg $0xFFFFFFFF  }
0xae: {  	[dreg:$0x0] =	wrdreg $0x60  }
0xaf: {  	[dreg:$0x2] =	wrdreg s2  }
0xb0: {  	[dreg:$0x3] =	wrdreg s18  }
0xb1: {  	[dreg:$0x4] =	wrdreg s24  }
0xb2: {  	[dreg:$0x5] =	wrdreg $0x9  }
0xb3: {  	_ =	task.clear_ibuf [dreg:s8], $0x6FFFF;
	_ =	strace $0x90000046  }
0xb4: {  	s29 =	simm.s32 $0x9;
	_ =	strace $0x80000048  }
0xb5: {  	_ =	swait.ge [sflag:s29], $0x1  }
0xb6: {  	[sflag:s29] =	ssyncadd.s32 $0xFFFFFFFF  }
0xb7: {  	_ =	strace $0x90000048  }
0xb8: {  	_ =	sfence  }
0xb9: {  	s30 =	sld [smem:$0x0];
	_ =	sdelay $0x2  }
0xba: {  	s31 =	sshll.u32 s1, $0xD;
	s1 =	sshrl.u32 s1, $0x2  }
0xbb: {  	s3 =	sand.u32 $0x4000, s31;
	s1 =	sadd.s32 s1, s30  }
0xbc: {  	s0 =	sor.u32 s3, s0;
	s1 =	sshll.u32 s1, $0x11  }
0xbd: {  	s0 =	sor.u32 s1, s0  }
0xbe: {  	s0 =	sadd.s32 $0x8F2B, s0  }
0xbf: {  	[sflag:s0] =	ssyncadd.remote.s32 $0x1  }
0xc0: {  	_ =	sfence.sel $0xFFFF  }
0xc1: {  	[dreg:$0x0] =	wrdreg $0xFFFFFFFF;
	(pc) =	sbr.abs _section_cstart, $3  }
0xc2: {  	[dreg:$0x1] =	wrdreg $0xFFFFFFFF  }
0xc3: {  	_ =	task.clear_ibuf [dreg:s8], $0x2FFFF;
	_ =	strace $0x9FFFFFFF  }
0xc4: {  	(tm) =	ssettm $0x7FFFFFFF  }
0xc5: {  	_ =	shalt  }
tec
execute0_lowered:
.L_overlay_start_1:
0x0: {  	(tag) =	ssettag $0x1  }
0x1: {  	s1 =	rddreg [dreg:$0x0]  }
0x2: {  	s3 =	rddreg [dreg:$0x1]  }
0x3: {  	s5 =	rddreg [dreg:$0x2]  }
0x4: {  	s0 =	rddreg [dreg:$0x3]  }
0x5: {  	s6 =	srdreg.scid;
	s2 =	stileid.u32;
	s4 =	simm.s32 $0x0  }
0x6: {  	s13 =	simm.s32 $0x4000;
	s14 =	simm.s32 $0x2000;
	s15 =	simm.s32 $0x6000  }
0x7: {  	s16 =	simm.s32 $0x1;
	s17 =	simm.s32 $0x2;
	s18 =	simm.s32 $0x8000  }
0x8: {  	s19 =	simm.s32 $0x3;
	s20 =	simm.s32 $0x0;
	s25 =	simm.s32 $0x0  }
0x9: {  	s6 =	sand.u32 $0x1, s6;
	s7 =	sshll.u32 s2, $0x1;
	[smem:$0x7FF] =	sst s4  }
0xa: {  	s7 =	sor.u32 s6, s7;
	s6 =	ssub.s32 $0x2, s6;
	_ =	strace $0x80000047  }
0xb: {  	s8 =	sshll.u32 s7, $0x5;
	s9 =	sshrl.u32 s6, $0x1;
	s30 =	sshll.u32 s7, $0xD  }
0xc: {  	s10 =	sshll.u32 s7, $0x10;
	s11 =	sadd.s32 s8, s5;
	s12 =	ssub.s32 s6, s9  }
0xd: {  	s5 =	sadd.s32 s1, s30;
	s31 =	sor.u32 $0x400, s30;
	s6 =	sadd.s32 s3, s30  }
0xe: {  	s9 =	sor.u32 $0x4000, s10;
	s10 =	sor.u32 $0x6000, s10;
	s7 =	sadd.s32 s1, s31  }
0xf: {  	v0 =	vimm.f32 $1.000000000e+00;
	s8 =	sadd.s32 s3, s31;
	s11 =	sadd.s32 $0x600, s11;
	s12 =	smax.u32 s12, $0x1  }
.LBB2_1:
0x10: {  	[tilespmem:s4], [sflag:$0x1] =	stream.linear.gather [hbm4b:s5+s4], $0x2000, $0x38;
	[tilespmem:$0x8100] =	vst v63  }
0x11: {  	v9 =	vimm.f32 $0.0e+00  }
0x12: {  	v2 =	vimm.f32 $0.0e+00;
	v5 =	vimm.f32 $0.0e+00;
	v3 =	vimm.f32 $0.0e+00;
	[tilespmem:s13], [sflag:$0x1] =	stream.linear.gather [hbm4b:s6+s4], $0x2000, $0x38;
	[tilespmem:$0x8100] =	vst v63  }
0x13: {  	v4 =	vimm.f32 $0.0e+00;
	v1 =	vimm.f32 $0.0e+00;
	v8 =	vimm.f32 $0.0e+00  }
0x14: {  	v6 =	vimm.f32 $0.0e+00;
	v14 =	vimm.f32 $0.0e+00;
	v12 =	vimm.f32 $0.0e+00;
	[tilespmem:s14], [sflag:$0x2] =	stream.linear.gather [hbm4b:s7+s4], $0x2000, $0x38;
	[tilespmem:$0x8100] =	vst v63  }
0x15: {  	v7 =	vimm.f32 $0.0e+00;
	v11 =	vimm.f32 $0.0e+00;
	v10 =	vimm.f32 $0.0e+00;
	s21 =	simm.s32 $0x0  }
0x16: {  	v13 =	vimm.f32 $0.0e+00;
	v16 =	vimm.f32 $0.0e+00;
	v15 =	vimm.f32 $0.0e+00;
	[tilespmem:s15], [sflag:$0x2] =	stream.linear.gather [hbm4b:s8+s4], $0x2000, $0x38;
	[tilespmem:$0x8100] =	vst v63  }
.LBB2_2:
0x17: {  	_ =	swait.ge [sflag:s16], $0x2000  }
0x18: {  	[sflag:s16] =	ssyncset.done $0x0  }
0x19: {  	[sflag:s16] =	ssyncadd.s32 $0xFFFFE000  }
0x1a: {  	_ =	swait.ge [sflag:s16], $0x2000  }
0x1b: {  	[sflag:s16] =	ssyncset.done $0x0  }
0x1c: {  	s23 =	simm.s32 $0x0;
	[sflag:s16] =	ssyncadd.s32 $0xFFFFE000  }
0x1d: {  	v31 =	vld [tilespmem:s23+$0x60]  }
0x1e: {  	v33 =	vld [tilespmem:s23+$0x4010]  }
0x1f: {  	v19 =	vld [tilespmem:s23+$0x4000]  }
0x20: {  	v22 =	vld [tilespmem:s23+$0x4020]  }
0x21: {  	v20 =	vld [tilespmem:s23+$0x70]  }
0x22: {  	v23 =	vld [tilespmem:s23+$0x4070]  }
0x23: {  	v17 =	vld [tilespmem:s23+$0x4050]  }
0x24: {  	v32 =	vld [tilespmem:s23+$0x4060]  }
0x25: {  	v34 =	vld [tilespmem:s23+$0x10]  }
0x26: {  	v24 =	vld [tilespmem:s23+$0x4040]  }
0x27: {  	v25 =	vld [tilespmem:s23+$0x30]  }
0x28: {  	v28 =	vld [tilespmem:s23+$0x20];
	vm0 =	vle.f32 v33, $5.500000120e-01;
	vm2 =	vle.f32 v19, $5.500000120e-01  }
0x29: {  	v26 =	vsub.f32 v23, v20;
	v21 =	vsel vm0, $0x3F2AAAAB, v0;
	vm0 =	vle.f32 v23, $5.500000120e-01;
	v23 =	vld [tilespmem:s23+$0x4030]  }
0x2a: {  	v30 =	vld [tilespmem:s23+$0x0];
	vm1 =	vle.f32 v22, $5.500000120e-01;
	vm3 =	vle.f32 v32, $5.500000120e-01;
	v32 =	vsub.f32 v32, v31  }
0x2b: {  	v18 =	vld [tilespmem:s23+$0x40];
	v31 =	vsub.f32 v33, v34;
	v20 =	vsel vm2, $0x3F2AAAAB, v0;
	vm2 =	vle.f32 v24, $5.500000120e-01  }
0x2c: {  	v16 =	vadd.f32 v21, v16;
	v27 =	vmul.f32 v26, v26;
	v29 =	vsel vm0, $0x3F2AAAAB, v0  }
0x2d: {  	s22 =	simm.s32 $0x200;
	v15 =	vadd.f32 v20, v15;
	vm0 =	vle.f32 v17, $5.500000120e-01;
	v26 =	vld [tilespmem:s23+$0x50];
	v14 =	vadd.f32 v29, v14  }
.LBB2_3:
0x2e: {  	s23 =	sshra.s32 s22, $0x2;
	p0 =	sne.s32 s22, $0x7E00;
	s22 =	sadd.s32 $0x200, s22;
	v22 =	vsub.f32 v22, v28;
	v25 =	vsub.f32 v23, v25;
	v28 =	vmul.f32 v32, v32  }
0x2f: {  	v33 =	vsel vm1, $0x3F2AAAAB, v0;
	v27 =	vmul.f32 v27, v29;
	v32 =	vld [tilespmem:s23+$0x60];
	v30 =	vsub.f32 v19, v30  }
0x30: {  	v24 =	vsub.f32 v24, v18;
	v13 =	vadd.f32 v33, v13;
	v34 =	vld [tilespmem:s23+$0x4010];
	v22 =	vmul.f32 v22, v22  }
0x31: {  	v19 =	vld [tilespmem:s23+$0x4000];
	v29 =	vmul.f32 v30, v30;
	v30 =	vmul.f32 v31, v31;
	v31 =	vsel vm3, $0x3F2AAAAB, v0  }
0x32: {  	v35 =	vmul.f32 v24, v24;
	v18 =	vld [tilespmem:s23+$0x40];
	v33 =	vmul.f32 v22, v33;
	v12 =	vadd.f32 v31, v12  }
0x33: {  	vm1 =	vle.f32 v23, $5.500000120e-01;
	v23 =	vsub.f32 v17, v26;
	v9 =	vadd.f32 v27, v9;
	v22 =	vld [tilespmem:s23+$0x4020]  }
0x34: {  	v24 =	vmul.f32 v25, v25;
	v27 =	vsel vm2, $0x3F2AAAAB, v0;
	v21 =	vmul.f32 v30, v21;
	v26 =	vld [tilespmem:s23+$0x70]  }
0x35: {  	v36 =	vsel vm1, $0x3F2AAAAB, v0;
	v11 =	vadd.f32 v27, v11;
	vm2 =	vle.f32 v34, $5.500000120e-01;
	v30 =	vld [tilespmem:s23+$0x4070]  }
0x36: {  	v37 =	vmul.f32 v24, v36;
	v20 =	vmul.f32 v29, v20;
	v8 =	vadd.f32 v21, v8;
	v17 =	vld [tilespmem:s23+$0x4050]  }
0x37: {  	v10 =	vadd.f32 v36, v10;
	v23 =	vmul.f32 v23, v23;
	v21 =	vsel vm0, $0x3F2AAAAB, v0;
	v25 =	vld [tilespmem:s23+$0x30]  }
0x38: {  	v28 =	vmul.f32 v28, v31;
	vm0 =	vle.f32 v19, $5.500000120e-01;
	v36 =	vld [tilespmem:s23+$0x10];
	vm1 =	vle.f32 v22, $5.500000120e-01  }
0x39: {  	v6 =	vadd.f32 v20, v6;
	v7 =	vadd.f32 v21, v7;
	v29 =	vmul.f32 v23, v21;
	v31 =	vld [tilespmem:s23+$0x4060]  }
0x3a: {  	v2 =	vadd.f32 v28, v2;
	v21 =	vsel vm2, $0x3F2AAAAB, v0;
	v24 =	vld [tilespmem:s23+$0x4040];
	v26 =	vsub.f32 v30, v26  }
0x3b: {  	v35 =	vmul.f32 v35, v27;
	v20 =	vsel vm0, $0x3F2AAAAB, v0;
	vm0 =	vle.f32 v30, $5.500000120e-01;
	v28 =	vld [tilespmem:s23+$0x20]  }
.Ltmp0:
0x3c: {  	v16 =	vadd.f32 v21, v16;
	v5 =	vadd.f32 v29, v5;
	v23 =	vld [tilespmem:s23+$0x4030];
	v27 =	vmul.f32 v26, v26;
	(pc) =	sbr.rel @p0 .LBB2_3-.Ltmp0, $4  }
0x3d: {  	v4 =	vadd.f32 v37, v4;
	v3 =	vadd.f32 v35, v3;
	v29 =	vsel vm0, $0x3F2AAAAB, v0;
	v30 =	vld [tilespmem:s23+$0x0]  }
0x3e: {  	v1 =	vadd.f32 v33, v1;
	v14 =	vadd.f32 v29, v14;
	v26 =	vld [tilespmem:s23+$0x50];
	vm3 =	vle.f32 v31, $5.500000120e-01  }
0x3f: {  	v15 =	vadd.f32 v20, v15;
	vm0 =	vle.f32 v17, $5.500000120e-01;
	v32 =	vsub.f32 v31, v32  }
0x40: {  	v31 =	vsub.f32 v34, v36;
	vm2 =	vle.f32 v24, $5.500000120e-01  }
0x41: {  	s22 =	sshll.u32 s21, $0xE  }
0x42: {  	s23 =	sadd.s32 s22, s9  }
0x43: {  	s23 =	sshrl.u32 s23, $0x3  }
0x44: {  	s24 =	sadd.s32 s1, s23  }
0x45: {  	[tilespmem:s25], [sflag:$0x1] =	stream.linear.gather [hbm4b:s24+s25], $0x2000, $0x38;
	[tilespmem:$0x8100] =	vst v63  }
0x46: {  	s23 =	sadd.s32 s3, s23  }
0x47: {  	[tilespmem:s13], [sflag:$0x1] =	stream.linear.gather [hbm4b:s23+s25], $0x2000, $0x38;
	[tilespmem:$0x8100] =	vst v63  }
0x48: {  	_ =	swait.ge [sflag:s17], $0x2000  }
0x49: {  	[sflag:s17] =	ssyncset.done $0x0  }
0x4a: {  	[sflag:s17] =	ssyncadd.s32 $0xFFFFE000  }
0x4b: {  	v22 =	vsub.f32 v22, v28;
	v25 =	vsub.f32 v23, v25;
	_ =	swait.ge [sflag:s17], $0x2000  }
0x4c: {  	v28 =	vmul.f32 v32, v32;
	v27 =	vmul.f32 v27, v29;
	v18 =	vsub.f32 v24, v18;
	[sflag:s17] =	ssyncset.done $0x0  }
0x4d: {  	s31 =	simm.s32 $0x0;
	v29 =	vsel vm3, $0x3F2AAAAB, v0;
	v19 =	vsub.f32 v19, v30;
	v30 =	vsel vm1, $0x3F2AAAAB, v0;
	[sflag:s17] =	ssyncadd.s32 $0xFFFFE000  }
0x4e: {  	v24 =	vmul.f32 v31, v31;
	v12 =	vadd.f32 v29, v12;
	v22 =	vmul.f32 v22, v22;
	v31 =	vld [tilespmem:s31+$0x2060]  }
0x4f: {  	vm1 =	vle.f32 v23, $5.500000120e-01;
	v62 =	vmul.f32 v18, v18;
	v19 =	vmul.f32 v19, v19;
	v33 =	vld [tilespmem:s31+$0x6010]  }
0x50: {  	v23 =	vsub.f32 v17, v26;
	v9 =	vadd.f32 v27, v9;
	v21 =	vmul.f32 v24, v21;
	v18 =	vld [tilespmem:s31+$0x6000]  }
0x51: {  	v26 =	vsel vm1, $0x3F2AAAAB, v0;
	v24 =	vmul.f32 v25, v25;
	v19 =	vmul.f32 v19, v20;
	v20 =	vld [tilespmem:s31+$0x6020]  }
0x52: {  	v25 =	vsel vm2, $0x3F2AAAAB, v0;
	v10 =	vadd.f32 v26, v10;
	v23 =	vmul.f32 v23, v23;
	v27 =	vld [tilespmem:s31+$0x2070]  }
0x53: {  	v8 =	vadd.f32 v21, v8;
	v21 =	vmul.f32 v24, v26;
	v26 =	vmul.f32 v28, v29;
	v29 =	vld [tilespmem:s31+$0x6070]  }
0x54: {  	v22 =	vmul.f32 v22, v30;
	v24 =	vsel vm0, $0x3F2AAAAB, v0;
	v6 =	vadd.f32 v19, v6;
	v19 =	vld [tilespmem:s31+$0x6050]  }
0x55: {  	v23 =	vmul.f32 v23, v24;
	v7 =	vadd.f32 v24, v7;
	v24 =	vmul.f32 v62, v25;
	v63 =	vld [tilespmem:s31+$0x6060]  }
0x56: {  	v13 =	vadd.f32 v30, v13;
	v11 =	vadd.f32 v25, v11;
	v34 =	vld [tilespmem:s31+$0x2010]  }
0x57: {  	v1 =	vadd.f32 v22, v1;
	v3 =	vadd.f32 v24, v3;
	v24 =	vld [tilespmem:s31+$0x6040]  }
0x58: {  	v2 =	vadd.f32 v26, v2;
	v4 =	vadd.f32 v21, v4;
	v25 =	vld [tilespmem:s31+$0x2030]  }
0x59: {  	v5 =	vadd.f32 v23, v5;
	v28 =	vld [tilespmem:s31+$0x2020];
	vm0 =	vle.f32 v33, $5.500000120e-01;
	vm2 =	vle.f32 v18, $5.500000120e-01  }
0x5a: {  	v23 =	vld [tilespmem:s31+$0x6030];
	vm1 =	vle.f32 v20, $5.500000120e-01;
	v26 =	vsub.f32 v29, v27;
	vm3 =	vle.f32 v63, $5.500000120e-01  }
0x5b: {  	v30 =	vld [tilespmem:s31+$0x2000];
	v32 =	vsub.f32 v63, v31;
	v31 =	vsub.f32 v33, v34;
	v22 =	vsel vm0, $0x3F2AAAAB, v0  }
0x5c: {  	v17 =	vld [tilespmem:s31+$0x2040];
	v21 =	vsel vm2, $0x3F2AAAAB, v0;
	vm0 =	vle.f32 v29, $5.500000120e-01;
	vm2 =	vle.f32 v24, $5.500000120e-01  }
0x5d: {  	v16 =	vadd.f32 v22, v16;
	v27 =	vmul.f32 v26, v26;
	v29 =	vsel vm0, $0x3F2AAAAB, v0  }
0x5e: {  	s23 =	simm.s32 $0x200;
	v15 =	vadd.f32 v21, v15;
	vm0 =	vle.f32 v19, $5.500000120e-01;
	v26 =	vld [tilespmem:s31+$0x2050];
	v14 =	vadd.f32 v29, v14  }
.LBB2_5:
0x5f: {  	s24 =	sshra.s32 s23, $0x2;
	p0 =	sne.s32 s23, $0x7E00;
	s23 =	sadd.s32 $0x200, s23;
	v20 =	vsub.f32 v20, v28;
	v25 =	vsub.f32 v23, v25;
	v28 =	vmul.f32 v32, v32  }
0x60: {  	v33 =	vsel vm1, $0x3F2AAAAB, v0;
	v27 =	vmul.f32 v27, v29;
	v32 =	vld [tilespmem:s24+$0x2060];
	v30 =	vsub.f32 v18, v30  }
0x61: {  	v24 =	vsub.f32 v24, v17;
	v13 =	vadd.f32 v33, v13;
	v34 =	vld [tilespmem:s24+$0x6010];
	v20 =	vmul.f32 v20, v20  }
0x62: {  	v18 =	vld [tilespmem:s24+$0x6000];
	v29 =	vmul.f32 v30, v30;
	v30 =	vmul.f32 v31, v31;
	v31 =	vsel vm3, $0x3F2AAAAB, v0  }
0x63: {  	v35 =	vmul.f32 v24, v24;
	v17 =	vld [tilespmem:s24+$0x2040];
	v33 =	vmul.f32 v20, v33;
	v12 =	vadd.f32 v31, v12  }
0x64: {  	vm1 =	vle.f32 v23, $5.500000120e-01;
	v23 =	vsub.f32 v19, v26;
	v9 =	vadd.f32 v27, v9;
	v20 =	vld [tilespmem:s24+$0x6020]  }
0x65: {  	v24 =	vmul.f32 v25, v25;
	v27 =	vsel vm2, $0x3F2AAAAB, v0;
	v22 =	vmul.f32 v30, v22;
	v26 =	vld [tilespmem:s24+$0x2070]  }
0x66: {  	v36 =	vsel vm1, $0x3F2AAAAB, v0;
	v11 =	vadd.f32 v27, v11;
	vm2 =	vle.f32 v34, $5.500000120e-01;
	v30 =	vld [tilespmem:s24+$0x6070]  }
0x67: {  	v37 =	vmul.f32 v24, v36;
	v21 =	vmul.f32 v29, v21;
	v8 =	vadd.f32 v22, v8;
	v19 =	vld [tilespmem:s24+$0x6050]  }
0x68: {  	v10 =	vadd.f32 v36, v10;
	v23 =	vmul.f32 v23, v23;
	v22 =	vsel vm0, $0x3F2AAAAB, v0;
	v25 =	vld [tilespmem:s24+$0x2030]  }
0x69: {  	v28 =	vmul.f32 v28, v31;
	vm0 =	vle.f32 v18, $5.500000120e-01;
	v36 =	vld [tilespmem:s24+$0x2010];
	vm1 =	vle.f32 v20, $5.500000120e-01  }
0x6a: {  	v6 =	vadd.f32 v21, v6;
	v7 =	vadd.f32 v22, v7;
	v29 =	vmul.f32 v23, v22;
	v31 =	vld [tilespmem:s24+$0x6060]  }
0x6b: {  	v2 =	vadd.f32 v28, v2;
	v22 =	vsel vm2, $0x3F2AAAAB, v0;
	v24 =	vld [tilespmem:s24+$0x6040];
	v26 =	vsub.f32 v30, v26  }
0x6c: {  	v35 =	vmul.f32 v35, v27;
	v21 =	vsel vm0, $0x3F2AAAAB, v0;
	vm0 =	vle.f32 v30, $5.500000120e-01;
	v28 =	vld [tilespmem:s24+$0x2020]  }
.Ltmp1:
0x6d: {  	v16 =	vadd.f32 v22, v16;
	v5 =	vadd.f32 v29, v5;
	v23 =	vld [tilespmem:s24+$0x6030];
	v27 =	vmul.f32 v26, v26;
	(pc) =	sbr.rel @p0 .LBB2_5-.Ltmp1, $4  }
0x6e: {  	v4 =	vadd.f32 v37, v4;
	v3 =	vadd.f32 v35, v3;
	v29 =	vsel vm0, $0x3F2AAAAB, v0;
	v30 =	vld [tilespmem:s24+$0x2000]  }
0x6f: {  	v1 =	vadd.f32 v33, v1;
	v14 =	vadd.f32 v29, v14;
	v26 =	vld [tilespmem:s24+$0x2050];
	vm3 =	vle.f32 v31, $5.500000120e-01  }
0x70: {  	v15 =	vadd.f32 v21, v15;
	vm0 =	vle.f32 v19, $5.500000120e-01;
	v32 =	vsub.f32 v31, v32  }
0x71: {  	v31 =	vsub.f32 v34, v36;
	vm2 =	vle.f32 v24, $5.500000120e-01  }
0x72: {  	v20 =	vsub.f32 v20, v28;
	v25 =	vsub.f32 v23, v25  }
0x73: {  	v54 =	vmul.f32 v32, v32;
	v55 =	vsel vm1, $0x3F2AAAAB, v0;
	v27 =	vmul.f32 v27, v29  }
0x74: {  	v17 =	vsub.f32 v24, v17;
	v57 =	vsel vm3, $0x3F2AAAAB, v0;
	vm15 =	vle.f32 v23, $5.500000120e-01  }
0x75: {  	v58 =	vsel vm2, $0x3F2AAAAB, v0;
	v62 =	vsel vm0, $0x3F2AAAAB, v0;
	v18 =	vsub.f32 v18, v30  }
0x76: {  	v13 =	vadd.f32 v55, v13;
	v56 =	vmul.f32 v31, v31;
	v12 =	vadd.f32 v57, v12  }
0x77: {  	v60 =	vsel vm15, $0x3F2AAAAB, v0;
	v11 =	vadd.f32 v58, v11;
	v20 =	vmul.f32 v20, v20  }
0x78: {  	v7 =	vadd.f32 v62, v7;
	v17 =	vmul.f32 v17, v17;
	v59 =	vmul.f32 v25, v25  }
0x79: {  	s21 =	sadd.s32 $0x1, s21;
	v19 =	vsub.f32 v19, v26;
	v63 =	vmul.f32 v54, v57;
	v18 =	vmul.f32 v18, v18  }
0x7a: {  	s22 =	sadd.s32 s22, s10;
	p0 =	sne.s32 s21, $0x3;
	v9 =	vadd.f32 v27, v9;
	v22 =	vmul.f32 v56, v22;
	v20 =	vmul.f32 v20, v55  }
.Ltmp2:
0x7b: {  	s22 =	sshrl.u32 s22, $0x3;
	v10 =	vadd.f32 v60, v10;
	v19 =	vmul.f32 v19, v19;
	v18 =	vmul.f32 v18, v21;
	(pc) =	sbr.rel @p0 .LBB2_2-.Ltmp2, $4  }
0x7c: {  	s23 =	sadd.s32 s1, s22;
	v61 =	vmul.f32 v59, v60;
	v2 =	vadd.f32 v63, v2;
	v17 =	vmul.f32 v17, v58  }
0x7d: {  	[tilespmem:s14], [sflag:$0x2] =	stream.linear.gather [hbm4b:s23+s4], $0x2000, $0x38;
	v8 =	vadd.f32 v22, v8;
	v6 =	vadd.f32 v18, v6;
	v18 =	vmul.f32 v19, v62;
	[tilespmem:$0x8100] =	vst v63  }
0x7e: {  	s22 =	sadd.s32 s3, s22;
	v4 =	vadd.f32 v61, v4;
	v3 =	vadd.f32 v17, v3  }
0x7f: {  	[tilespmem:s15], [sflag:$0x2] =	stream.linear.gather [hbm4b:s22+s4], $0x2000, $0x38;
	v1 =	vadd.f32 v20, v1;
	v5 =	vadd.f32 v18, v5;
	[tilespmem:$0x8100] =	vst v63  }
0x80: {  	_ =	swait.ge [sflag:s16], $0x2000  }
0x81: {  	[sflag:s16] =	ssyncset.done $0x0  }
0x82: {  	[sflag:s16] =	ssyncadd.s32 $0xFFFFE000  }
0x83: {  	_ =	swait.ge [sflag:s16], $0x2000  }
0x84: {  	[sflag:s16] =	ssyncset.done $0x0  }
0x85: {  	s22 =	simm.s32 $0x0;
	[sflag:s16] =	ssyncadd.s32 $0xFFFFE000  }
0x86: {  	v31 =	vld [tilespmem:s22+$0x60]  }
0x87: {  	v33 =	vld [tilespmem:s22+$0x4010]  }
0x88: {  	v19 =	vld [tilespmem:s22+$0x4000]  }
0x89: {  	v22 =	vld [tilespmem:s22+$0x4020]  }
0x8a: {  	v20 =	vld [tilespmem:s22+$0x70]  }
0x8b: {  	v23 =	vld [tilespmem:s22+$0x4070]  }
0x8c: {  	v17 =	vld [tilespmem:s22+$0x4050]  }
0x8d: {  	v32 =	vld [tilespmem:s22+$0x4060]  }
0x8e: {  	v34 =	vld [tilespmem:s22+$0x10]  }
0x8f: {  	v24 =	vld [tilespmem:s22+$0x4040]  }
0x90: {  	v25 =	vld [tilespmem:s22+$0x30]  }
0x91: {  	v28 =	vld [tilespmem:s22+$0x20];
	vm0 =	vle.f32 v33, $5.500000120e-01;
	vm2 =	vle.f32 v19, $5.500000120e-01  }
0x92: {  	v26 =	vsub.f32 v23, v20;
	v21 =	vsel vm0, $0x3F2AAAAB, v0;
	vm0 =	vle.f32 v23, $5.500000120e-01;
	v23 =	vld [tilespmem:s22+$0x4030]  }
0x93: {  	v30 =	vld [tilespmem:s22+$0x0];
	vm1 =	vle.f32 v22, $5.500000120e-01;
	vm3 =	vle.f32 v32, $5.500000120e-01;
	v32 =	vsub.f32 v32, v31  }
0x94: {  	v18 =	vld [tilespmem:s22+$0x40];
	v31 =	vsub.f32 v33, v34;
	v20 =	vsel vm2, $0x3F2AAAAB, v0;
	vm2 =	vle.f32 v24, $5.500000120e-01  }
0x95: {  	v16 =	vadd.f32 v21, v16;
	v27 =	vmul.f32 v26, v26;
	v29 =	vsel vm0, $0x3F2AAAAB, v0  }
0x96: {  	s21 =	simm.s32 $0x200;
	v15 =	vadd.f32 v20, v15;
	vm0 =	vle.f32 v17, $5.500000120e-01;
	v26 =	vld [tilespmem:s22+$0x50];
	v14 =	vadd.f32 v29, v14  }
.LBB2_8:
0x97: {  	s22 =	sshra.s32 s21, $0x2;
	p0 =	sne.s32 s21, $0x7E00;
	s21 =	sadd.s32 $0x200, s21;
	v22 =	vsub.f32 v22, v28;
	v25 =	vsub.f32 v23, v25;
	v28 =	vmul.f32 v32, v32  }
0x98: {  	v33 =	vsel vm1, $0x3F2AAAAB, v0;
	v27 =	vmul.f32 v27, v29;
	v32 =	vld [tilespmem:s22+$0x60];
	v30 =	vsub.f32 v19, v30  }
0x99: {  	v24 =	vsub.f32 v24, v18;
	v13 =	vadd.f32 v33, v13;
	v34 =	vld [tilespmem:s22+$0x4010];
	v22 =	vmul.f32 v22, v22  }
0x9a: {  	v19 =	vld [tilespmem:s22+$0x4000];
	v29 =	vmul.f32 v30, v30;
	v30 =	vmul.f32 v31, v31;
	v31 =	vsel vm3, $0x3F2AAAAB, v0  }
0x9b: {  	v35 =	vmul.f32 v24, v24;
	v18 =	vld [tilespmem:s22+$0x40];
	v33 =	vmul.f32 v22, v33;
	v12 =	vadd.f32 v31, v12  }
0x9c: {  	vm1 =	vle.f32 v23, $5.500000120e-01;
	v23 =	vsub.f32 v17, v26;
	v9 =	vadd.f32 v27, v9;
	v22 =	vld [tilespmem:s22+$0x4020]  }
0x9d: {  	v24 =	vmul.f32 v25, v25;
	v27 =	vsel vm2, $0x3F2AAAAB, v0;
	v21 =	vmul.f32 v30, v21;
	v26 =	vld [tilespmem:s22+$0x70]  }
0x9e: {  	v36 =	vsel vm1, $0x3F2AAAAB, v0;
	v11 =	vadd.f32 v27, v11;
	vm2 =	vle.f32 v34, $5.500000120e-01;
	v30 =	vld [tilespmem:s22+$0x4070]  }
0x9f: {  	v37 =	vmul.f32 v24, v36;
	v20 =	vmul.f32 v29, v20;
	v8 =	vadd.f32 v21, v8;
	v17 =	vld [tilespmem:s22+$0x4050]  }
0xa0: {  	v10 =	vadd.f32 v36, v10;
	v23 =	vmul.f32 v23, v23;
	v21 =	vsel vm0, $0x3F2AAAAB, v0;
	v25 =	vld [tilespmem:s22+$0x30]  }
0xa1: {  	v28 =	vmul.f32 v28, v31;
	vm0 =	vle.f32 v19, $5.500000120e-01;
	v36 =	vld [tilespmem:s22+$0x10];
	vm1 =	vle.f32 v22, $5.500000120e-01  }
0xa2: {  	v6 =	vadd.f32 v20, v6;
	v7 =	vadd.f32 v21, v7;
	v29 =	vmul.f32 v23, v21;
	v31 =	vld [tilespmem:s22+$0x4060]  }
0xa3: {  	v2 =	vadd.f32 v28, v2;
	v21 =	vsel vm2, $0x3F2AAAAB, v0;
	v24 =	vld [tilespmem:s22+$0x4040];
	v26 =	vsub.f32 v30, v26  }
0xa4: {  	v35 =	vmul.f32 v35, v27;
	v20 =	vsel vm0, $0x3F2AAAAB, v0;
	vm0 =	vle.f32 v30, $5.500000120e-01;
	v28 =	vld [tilespmem:s22+$0x20]  }
.Ltmp3:
0xa5: {  	v16 =	vadd.f32 v21, v16;
	v5 =	vadd.f32 v29, v5;
	v23 =	vld [tilespmem:s22+$0x4030];
	v27 =	vmul.f32 v26, v26;
	(pc) =	sbr.rel @p0 .LBB2_8-.Ltmp3, $4  }
0xa6: {  	v4 =	vadd.f32 v37, v4;
	v3 =	vadd.f32 v35, v3;
	v29 =	vsel vm0, $0x3F2AAAAB, v0;
	v30 =	vld [tilespmem:s22+$0x0]  }
0xa7: {  	v1 =	vadd.f32 v33, v1;
	v14 =	vadd.f32 v29, v14;
	v26 =	vld [tilespmem:s22+$0x50];
	vm3 =	vle.f32 v31, $5.500000120e-01  }
0xa8: {  	v15 =	vadd.f32 v20, v15;
	vm0 =	vle.f32 v17, $5.500000120e-01;
	v32 =	vsub.f32 v31, v32  }
0xa9: {  	v31 =	vsub.f32 v34, v36;
	vm2 =	vle.f32 v24, $5.500000120e-01  }
0xaa: {  	_ =	swait.ge [sflag:s17], $0x2000  }
0xab: {  	[sflag:s17] =	ssyncset.done $0x0  }
0xac: {  	[sflag:s17] =	ssyncadd.s32 $0xFFFFE000  }
0xad: {  	_ =	swait.ge [sflag:s17], $0x2000  }
0xae: {  	v22 =	vsub.f32 v22, v28;
	v19 =	vsub.f32 v19, v30;
	[sflag:s17] =	ssyncset.done $0x0  }
0xaf: {  	v25 =	vsub.f32 v23, v25;
	v27 =	vmul.f32 v27, v29;
	v18 =	vsub.f32 v24, v18;
	s22 =	simm.s32 $0x0;
	[sflag:s17] =	ssyncadd.s32 $0xFFFFE000  }
0xb0: {  	v29 =	vsel vm3, $0x3F2AAAAB, v0;
	v24 =	vmul.f32 v19, v19;
	v19 =	vmul.f32 v31, v31;
	v31 =	vld [tilespmem:s22+$0x2060]  }
0xb1: {  	v28 =	vmul.f32 v32, v32;
	v30 =	vsel vm1, $0x3F2AAAAB, v0;
	v12 =	vadd.f32 v29, v12;
	v33 =	vld [tilespmem:s22+$0x6010]  }
0xb2: {  	vm1 =	vle.f32 v23, $5.500000120e-01;
	v13 =	vadd.f32 v30, v13;
	v23 =	vmul.f32 v19, v21;
	v19 =	vld [tilespmem:s22+$0x6000]  }
0xb3: {  	v22 =	vmul.f32 v22, v22;
	v62 =	vmul.f32 v18, v18;
	v17 =	vsub.f32 v17, v26;
	v21 =	vld [tilespmem:s22+$0x6020]  }
0xb4: {  	v9 =	vadd.f32 v27, v9;
	v25 =	vmul.f32 v25, v25;
	v26 =	vsel vm2, $0x3F2AAAAB, v0;
	v34 =	vld [tilespmem:s22+$0x2070]  }
0xb5: {  	v27 =	vsel vm1, $0x3F2AAAAB, v0;
	v22 =	vmul.f32 v22, v30;
	v20 =	vmul.f32 v24, v20;
	v63 =	vld [tilespmem:s22+$0x6060]  }
0xb6: {  	v24 =	vmul.f32 v17, v17;
	v35 =	vld [tilespmem:s22+$0x2010];
	v17 =	vadd.f32 v23, v8;
	v23 =	vmul.f32 v25, v27  }
0xb7: {  	v25 =	vsel vm0, $0x3F2AAAAB, v0;
	v8 =	vadd.f32 v27, v10;
	v27 =	vmul.f32 v28, v29;
	v29 =	vld [tilespmem:s22+$0x6070]  }
0xb8: {  	v11 =	vadd.f32 v26, v11;
	v10 =	vadd.f32 v20, v6;
	v20 =	vld [tilespmem:s22+$0x6050];
	v24 =	vmul.f32 v24, v25  }
0xb9: {  	v1 =	vadd.f32 v22, v1;
	v28 =	vld [tilespmem:s22+$0x2020];
	v6 =	vadd.f32 v25, v7;
	v25 =	vmul.f32 v62, v26  }
0xba: {  	v7 =	vadd.f32 v27, v2;
	v2 =	vadd.f32 v24, v5;
	v24 =	vld [tilespmem:s22+$0x6040];
	vm0 =	vle.f32 v33, $5.500000120e-01  }
0xbb: {  	v4 =	vadd.f32 v23, v4;
	v3 =	vadd.f32 v25, v3;
	v25 =	vld [tilespmem:s22+$0x2030];
	v23 =	vsel vm0, $0x3F2AAAAB, v0  }
0xbc: {  	vm2 =	vle.f32 v19, $5.500000120e-01;
	vm1 =	vle.f32 v21, $5.500000120e-01;
	v5 =	vadd.f32 v23, v16;
	v16 =	vld [tilespmem:s22+$0x6030]  }
0xbd: {  	v30 =	vld [tilespmem:s22+$0x2000];
	vm3 =	vle.f32 v63, $5.500000120e-01;
	v32 =	vsub.f32 v63, v31;
	v31 =	vsub.f32 v33, v35  }
0xbe: {  	v18 =	vld [tilespmem:s22+$0x2040];
	v26 =	vsub.f32 v29, v34;
	v22 =	vsel vm2, $0x3F2AAAAB, v0;
	vm0 =	vle.f32 v29, $5.500000120e-01  }
0xbf: {  	v29 =	vsel vm0, $0x3F2AAAAB, v0;
	v15 =	vadd.f32 v22, v15;
	vm0 =	vle.f32 v20, $5.500000120e-01  }
0xc0: {  	s21 =	simm.s32 $0x200;
	v27 =	vmul.f32 v26, v26;
	v14 =	vadd.f32 v29, v14;
	v26 =	vld [tilespmem:s22+$0x2050];
	vm2 =	vle.f32 v24, $5.500000120e-01  }
.LBB2_10:
0xc1: {  	s22 =	sshra.s32 s21, $0x2;
	p0 =	sne.s32 s21, $0x7E00;
	s21 =	sadd.s32 $0x200, s21;
	v21 =	vsub.f32 v21, v28;
	v25 =	vsub.f32 v16, v25;
	v28 =	vmul.f32 v32, v32  }
0xc2: {  	v33 =	vsel vm1, $0x3F2AAAAB, v0;
	v27 =	vmul.f32 v27, v29;
	v32 =	vld [tilespmem:s22+$0x2060];
	v30 =	vsub.f32 v19, v30  }
0xc3: {  	v24 =	vsub.f32 v24, v18;
	v13 =	vadd.f32 v33, v13;
	v34 =	vld [tilespmem:s22+$0x6010];
	v21 =	vmul.f32 v21, v21  }
0xc4: {  	v19 =	vld [tilespmem:s22+$0x6000];
	v29 =	vmul.f32 v30, v30;
	v30 =	vmul.f32 v31, v31;
	v31 =	vsel vm3, $0x3F2AAAAB, v0  }
0xc5: {  	v35 =	vmul.f32 v24, v24;
	v18 =	vld [tilespmem:s22+$0x2040];
	v33 =	vmul.f32 v21, v33;
	v12 =	vadd.f32 v31, v12  }
0xc6: {  	vm1 =	vle.f32 v16, $5.500000120e-01;
	v16 =	vsub.f32 v20, v26;
	v9 =	vadd.f32 v27, v9;
	v21 =	vld [tilespmem:s22+$0x6020]  }
0xc7: {  	v24 =	vmul.f32 v25, v25;
	v27 =	vsel vm2, $0x3F2AAAAB, v0;
	v23 =	vmul.f32 v30, v23;
	v26 =	vld [tilespmem:s22+$0x2070]  }
0xc8: {  	v36 =	vsel vm1, $0x3F2AAAAB, v0;
	v11 =	vadd.f32 v27, v11;
	vm2 =	vle.f32 v34, $5.500000120e-01;
	v30 =	vld [tilespmem:s22+$0x6070]  }
0xc9: {  	v37 =	vmul.f32 v24, v36;
	v22 =	vmul.f32 v29, v22;
	v17 =	vadd.f32 v23, v17;
	v20 =	vld [tilespmem:s22+$0x6050]  }
0xca: {  	v8 =	vadd.f32 v36, v8;
	v16 =	vmul.f32 v16, v16;
	v23 =	vsel vm0, $0x3F2AAAAB, v0;
	v25 =	vld [tilespmem:s22+$0x2030]  }
0xcb: {  	v28 =	vmul.f32 v28, v31;
	vm0 =	vle.f32 v19, $5.500000120e-01;
	v36 =	vld [tilespmem:s22+$0x2010];
	vm1 =	vle.f32 v21, $5.500000120e-01  }
0xcc: {  	v10 =	vadd.f32 v22, v10;
	v6 =	vadd.f32 v23, v6;
	v29 =	vmul.f32 v16, v23;
	v31 =	vld [tilespmem:s22+$0x6060]  }
0xcd: {  	v7 =	vadd.f32 v28, v7;
	v23 =	vsel vm2, $0x3F2AAAAB, v0;
	v24 =	vld [tilespmem:s22+$0x6040];
	v26 =	vsub.f32 v30, v26  }
0xce: {  	v35 =	vmul.f32 v35, v27;
	v22 =	vsel vm0, $0x3F2AAAAB, v0;
	vm0 =	vle.f32 v30, $5.500000120e-01;
	v28 =	vld [tilespmem:s22+$0x2020]  }
.Ltmp4:
0xcf: {  	v5 =	vadd.f32 v23, v5;
	v2 =	vadd.f32 v29, v2;
	v16 =	vld [tilespmem:s22+$0x6030];
	v27 =	vmul.f32 v26, v26;
	(pc) =	sbr.rel @p0 .LBB2_10-.Ltmp4, $4  }
0xd0: {  	v4 =	vadd.f32 v37, v4;
	v3 =	vadd.f32 v35, v3;
	v29 =	vsel vm0, $0x3F2AAAAB, v0;
	v30 =	vld [tilespmem:s22+$0x2000]  }
0xd1: {  	v1 =	vadd.f32 v33, v1;
	v14 =	vadd.f32 v29, v14;
	v26 =	vld [tilespmem:s22+$0x2050];
	vm3 =	vle.f32 v31, $5.500000120e-01  }
0xd2: {  	v15 =	vadd.f32 v22, v15;
	vm0 =	vle.f32 v20, $5.500000120e-01;
	v32 =	vsub.f32 v31, v32  }
0xd3: {  	v31 =	vsub.f32 v34, v36;
	vm2 =	vle.f32 v24, $5.500000120e-01  }
0xd4: {  	v21 =	vsub.f32 v21, v28;
	v25 =	vsub.f32 v16, v25;
	v49 =	vmul.f32 v32, v32  }
0xd5: {  	v50 =	vsel vm1, $0x3F2AAAAB, v0;
	v27 =	vmul.f32 v27, v29;
	v18 =	vsub.f32 v24, v18  }
0xd6: {  	v52 =	vsel vm3, $0x3F2AAAAB, v0;
	vm15 =	vle.f32 v16, $5.500000120e-01;
	v55 =	vsel vm2, $0x3F2AAAAB, v0  }
0xd7: {  	v59 =	vsel vm0, $0x3F2AAAAB, v0;
	v5 =	vadd.f32 v5, v15;
	v19 =	vsub.f32 v19, v30  }
0xd8: {  	v13 =	vadd.f32 v50, v13;
	v51 =	vmul.f32 v31, v31;
	v12 =	vadd.f32 v52, v12  }
0xd9: {  	v57 =	vsel vm15, $0x3F2AAAAB, v0;
	v11 =	vadd.f32 v55, v11;
	v6 =	vadd.f32 v59, v6  }
0xda: {  	v21 =	vmul.f32 v21, v21;
	v18 =	vmul.f32 v18, v18;
	v53 =	vsub.f32 v20, v26  }
0xdb: {  	v9 =	vadd.f32 v27, v9;
	v56 =	vmul.f32 v25, v25;
	v60 =	vmul.f32 v49, v52  }
0xdc: {  	v8 =	vadd.f32 v57, v8;
	v19 =	vmul.f32 v19, v19;
	v54 =	vmul.f32 v51, v23  }
0xdd: {  	v6 =	vadd.f32 v6, v11;
	v61 =	vadd.f32 v14, v12;
	v21 =	vmul.f32 v21, v50  }
0xde: {  	v16 =	vmul.f32 v53, v53;
	v58 =	vmul.f32 v56, v57;
	v7 =	vadd.f32 v60, v7  }
0xdf: {  	v18 =	vmul.f32 v18, v55;
	v8 =	vadd.f32 v8, v13;
	v19 =	vmul.f32 v19, v22  }
0xe0: {  	v17 =	vadd.f32 v54, v17;
	v16 =	vmul.f32 v16, v59;
	v4 =	vadd.f32 v58, v4  }
0xe1: {  	v1 =	vadd.f32 v21, v1;
	v10 =	vadd.f32 v19, v10  }
0xe2: {  	v3 =	vadd.f32 v18, v3;
	v2 =	vadd.f32 v16, v2  }
0xe3: {  	v1 =	vadd.f32 v4, v1;
	v10 =	vadd.f32 v17, v10  }
0xe4: {  	v2 =	vadd.f32 v2, v3;
	v3 =	vadd.f32 v9, v7  }
0xe5: {  	v63 =	vadd.f32 v61, v6;
	v62 =	vadd.f32 v8, v5  }
0xe6: {  	v1 =	vadd.f32 v1, v10;
	v2 =	vadd.f32 v3, v2  }
0xe7: {  	v3 =	vadd.f32 v63, v62  }
0xe8: {  	s20 =	sadd.s32 $0x1, s20;
	v1 =	vadd.f32 v2, v1  }
0xe9: {  	p0 =	sne.s32 s20, s12;
	[tilespmem:$0x8000] =	vst v3  }
.Ltmp5:
0xea: {  	[tilespmem:$0x8080] =	vst v1;
	(pc) =	sbr.rel @p0 .LBB2_1-.Ltmp5, $4  }
0xeb: {  	[hbm4b:s11+s4] =	stream.linear.scatter [tilespmem:s18], [sflag:$0x3], $0x100, $0x38;
	[tilespmem:$0x8100] =	vst v63  }
0xec: {  	_ =	swait.ge [sflag:s19], $0x100  }
0xed: {  	[sflag:s19] =	ssyncset.done $0x0  }
0xee: {  	[sflag:s19] =	ssyncadd.s32 $0xFFFFFF00  }
0xef: {  	_ =	sfence.sel $0x180000  }
0xf0: {  	[bflag:$0x0] =	sbarrier.arrive $0xFFFF  }
0xf1: {  	p0 =	sne.s32 s2, $0x0;
	_ =	strace $0x90000047  }
0xf2: {  	s0 =	sadd.s32 @!p0 $0x100000, s0;
	[bflag:$0x2] =	sbarrier.arrive $0xFFFF  }
0xf3: {  	[sflag:s0] =	ssyncadd.tile.s32 @!p0 $0x1;
	_ =	shalt  }
.Lfunc_end2:
_tile_overlayer_lowered:
.L_overlay_start_2:
0xf4: {  	(tag) =	ssettag $0x2  }
0xf5: {  	s0 =	rddreg [dreg:$0x0];
	s2 =	stileid.u32  }
0xf6: {  	s1 =	rddreg [dreg:$0x1];
	p0 =	sne.s32 s2, $0x0  }
0xf7: {  	s3 =	rddreg [dreg:$0x2];
	[bflag:$0x3] =	sbarrier.arrive $0xFFFF;
	s2 =	simm.s32 @!p0 $0x1C03  }
0xf8: {  	[timem:s3], [sflag:s2] =	dma.local @!p0 [hbm:s0], s1  }
0xf9: {  	s0 =	simm.s32 @!p0 $0x3  }
0xfa: {  	_ =	swait.ge @!p0 [sflag:s0], s1  }
0xfb: {  	s1 =	ssub.s32 @!p0 $0x0, s1;
	[sflag:s0] =	ssyncset.done @!p0 $0x0  }
0xfc: {  	[sflag:s0] =	ssyncadd.s32 @!p0 s1  }
0xfd: {  	[bflag:$0x3] =	sbarrier.arrive $0xFFFF  }
0xfe: {  	_ =	shalt  }

</sc_bundles>
